<compile_context>
chip_gen: v7x
topology: tpu7x:2x2x1
jax: 0.10.2.dev20260603
libtpu: 0.0.44.dev20260713+nightly
codegen_flags: <defaults>
</compile_context>

<pallas_src>
import dataclasses

import jax
import jax.numpy as jnp
from jax.experimental import pallas as pl
from jax.experimental.pallas import tpu as pltpu
from jax.experimental.pallas import tpu_sc as plsc

VOCAB_SIZE = 32
DIM = 4
LANES = 16


def _body(ids_hbm, emb_hbm, out_hbm, table_vmem, sem):
    pltpu.async_copy(emb_hbm, table_vmem, sem).wait()

    def block_body(idx_vmem, out_vmem):
        t_reg = [
            (
                table_vmem[pl.ds(d * VOCAB_SIZE, LANES)],
                table_vmem[pl.ds(d * VOCAB_SIZE + LANES, LANES)],
            )
            for d in range(2)
        ]

        @plsc.parallel_loop(0, 256, unroll=8)
        def _(k):
            ihl = k // 64
            jl = (k // 8) % 8
            g = (k % 8) * LANES
            iv = idx_vmem[0, ihl, jl, pl.ds(g, LANES)]
            ivm = iv & (LANES - 1)
            is_lo = iv < LANES
            vals = [
                jnp.where(
                    is_lo,
                    t_lo.at[ivm].get(mode="promise_in_bounds"),
                    t_hi.at[ivm].get(mode="promise_in_bounds"),
                )
                for (t_lo, t_hi) in t_reg
            ] + [
                plsc.load_gather(table_vmem, [iv + d * VOCAB_SIZE])
                for d in range(2, DIM)
            ]
            for d in range(DIM):
                out_vmem[jl, ihl, d, pl.ds(g, LANES)] = vals[d]

    pltpu.emit_pipeline(
        block_body,
        grid=(25, 32),
        in_specs=[
            pl.BlockSpec(
                (1, 4, 8, 128),
                lambda jt, itg: (jt, itg, 0, 0),
                pipeline_mode=pl.Buffered(buffer_count=4),
            )
        ],
        out_specs=[pl.BlockSpec((8, 4, 4, 128), lambda jt, itg: (jt, itg, 0, 0))],
        core_axis_name=("c", "s"),
        dimension_semantics=(pltpu.PARALLEL, pltpu.PARALLEL),
    )(ids_hbm, out_hbm)


def kernel(input_ids, emb):
    rows, cols = input_ids.shape
    assert (rows, cols) == (16384, 200) and emb.shape == (VOCAB_SIZE, DIM)
    ids_t = (
        input_ids.astype(jnp.int32)
        .reshape(rows // 128, 128, cols // 8, 8)
        .transpose(2, 0, 3, 1)
    )
    emb_planar = emb.T.reshape(-1)
    mesh = plsc.VectorSubcoreMesh(core_axis_name="c", subcore_axis_name="s")
    cp = dataclasses.replace(pltpu.CompilerParams(), needs_layout_passes=False)
    out = pl.kernel(
        _body,
        out_type=jax.ShapeDtypeStruct((cols, rows // 128, DIM, 128), jnp.float32),
        mesh=mesh,
        scratch_types=[
            pltpu.VMEM((VOCAB_SIZE * DIM,), jnp.float32),
            pltpu.SemaphoreType.DMA,
        ],
        compiler_params=cp,
    )(ids_t, emb_planar)
    return out.transpose(1, 3, 0, 2).reshape(rows, cols, DIM)

# --- scband reference (transcript-rebuilt; emitter-appended) ---
"""Pipeline reference for scband-tiny-82669530514045 (READ-ONLY COPY).

The authoritative reference and input builder live on the scoring server;
editing this copy changes nothing except your own understanding.
"""

import jax, jax.numpy as jnp
import numpy as np

VOCAB = 32
EMBED_DIM = 4

def setup_inputs(seed: int = 0) -> dict:
    key = jax.random.key(seed)
    k_idx, k_emb = jax.random.split(key)
    input_ids = jax.random.randint(k_idx, (16384, 200), 0, VOCAB, dtype=jnp.int64 if jax.config.jax_enable_x64 else jnp.int32)
    emb = jax.random.normal(k_emb, (VOCAB, EMBED_DIM), dtype=jnp.float32)
    return {"input_ids": input_ids, "emb": emb}

def reference(input_ids, emb):
    # nn.Embedding lookup: gather rows of the table
    return jnp.take(emb, input_ids, axis=0)

if __name__ == "__main__":
    import jax
    _d = setup_inputs()
    print(jax.jit(kernel)(*tuple(_d.values())))

</pallas_src>

<mosaic_0001>
#map = affine_map<(d0, d1) -> (0, 0, 0, 0)>
#map1 = affine_map<(d0, d1) -> (0)>
module attributes {stable_mosaic.version = 14 : i64} {
  func.func @_body(%arg0: i32, %arg1: i32, %arg2: memref<25x128x8x128xi32, #tpu.memory_space<hbm>>, %arg3: memref<128xf32, #tpu.memory_space<hbm>>, %arg4: memref<200x128x4x128xf32, #tpu.memory_space<hbm>>, %arg5: memref<128xf32, #tpu.memory_space<vmem>>, %arg6: memref<!tpu.dma_semaphore, #tpu.memory_space<semaphore_mem>>) attributes {dimension_semantics = [#tpu.dimension_semantics<core_parallel>, #tpu.dimension_semantics<subcore_parallel>], iteration_bounds = array<i64: 2, 16>, scalar_prefetch = 0 : i64, scratch_operands = 2 : i64, tpu.core_type = #tpu.core_type<sc_vector_subcore>, window_params = [{transform_indices = #map}, {transform_indices = #map1}, {transform_indices = #map}]} {
    tpu.enqueue_dma source(%arg3 : memref<128xf32, #tpu.memory_space<hbm>>) target(%arg5 : memref<128xf32, #tpu.memory_space<vmem>>) target_semaphore(%arg6 : memref<!tpu.dma_semaphore, #tpu.memory_space<semaphore_mem>>)
    tpu.wait_dma2 semaphore(%arg6 : memref<!tpu.dma_semaphore, #tpu.memory_space<semaphore_mem>>) src(%arg3 : memref<128xf32, #tpu.memory_space<hbm>>) dst(%arg5 : memref<128xf32, #tpu.memory_space<vmem>>)
    %mul3A = arith.constant 1 : i32
    %mul3A_0 = arith.muli %arg1, %mul3A : i32
    %add3A = arith.constant 0 : i32
    %add3A_1 = arith.addi %add3A, %mul3A_0 : i32
    %mul3A_2 = arith.constant 16 : i32
    %mul3A_3 = arith.muli %arg0, %mul3A_2 : i32
    %add3A_4 = arith.addi %add3A_1, %mul3A_3 : i32
    %mul3A_5 = arith.constant 1 : i32
    %mul3A_6 = arith.muli %add3A_4, %mul3A_5 : i32
    "tpu.region"() ({
      %run_scoped3A = memref.alloca() : memref<4x1x4x8x128xi32, #tpu.memory_space<vmem>>
      %run_scoped3A_7 = tpu.sem_alloc : memref<4x!tpu.dma_semaphore, #tpu.memory_space<semaphore_mem>>
      %run_scoped3A_8 = memref.alloca() : memref<2x8x4x4x128xf32, #tpu.memory_space<vmem>>
      %run_scoped3A_9 = tpu.sem_alloc : memref<2x!tpu.dma_semaphore, #tpu.memory_space<semaphore_mem>>
      %add3A_10 = arith.constant 0 : i32
      %add3A_11 = arith.addi %add3A_10, %mul3A_6 : i32
      %select_n3A = arith.constant true
      %select_n3A_12 = arith.constant 0 : i32
      %select_n3A_13 = arith.constant -1 : i32
      %select_n3A_14 = arith.select %select_n3A, %select_n3A_13, %select_n3A_12 : i32
      %eq3A = arith.constant -1 : i32
      %eq3A_15 = arith.cmpi eq, %select_n3A_14, %eq3A : i32
      %select_n3A_16 = arith.constant 0 : i32
      %select_n3A_17 = arith.select %eq3A_15, %select_n3A_16, %select_n3A_14 : i32
      %select_n3A_18 = arith.constant 0 : i32
      %select_n3A_19 = arith.constant -1 : i32
      %select_n3A_20 = arith.select %eq3A_15, %select_n3A_19, %select_n3A_18 : i32
      %eq3A_21 = arith.constant -1 : i32
      %eq3A_22 = arith.cmpi eq, %select_n3A_20, %eq3A_21 : i32
      %select_n3A_23 = arith.constant 24 : i32
      %select_n3A_24 = arith.select %eq3A_22, %select_n3A_23, %select_n3A_20 : i32
      %add3A_25 = arith.constant 0 : i32
      %add3A_26 = arith.addi %select_n3A_24, %add3A_25 : i32
      %add3A_27 = arith.constant 0 : i32
      %add3A_28 = arith.addi %add3A_27, %mul3A_6 : i32
      %select_n3A_29 = arith.constant true
      %select_n3A_30 = arith.constant 0 : i32
      %select_n3A_31 = arith.constant 1 : i32
      %select_n3A_32 = arith.select %select_n3A_29, %select_n3A_31, %select_n3A_30 : i32
      %eq3A_33 = arith.constant 1 : i32
      %eq3A_34 = arith.cmpi eq, %select_n3A_32, %eq3A_33 : i32
      %select_n3A_35 = arith.constant 0 : i32
      %select_n3A_36 = arith.select %eq3A_34, %select_n3A_35, %select_n3A_32 : i32
      %select_n3A_37 = arith.constant 0 : i32
      %select_n3A_38 = arith.constant 1 : i32
      %select_n3A_39 = arith.select %eq3A_34, %select_n3A_38, %select_n3A_37 : i32
      %eq3A_40 = arith.constant 25 : i32
      %eq3A_41 = arith.cmpi eq, %select_n3A_39, %eq3A_40 : i32
      %select_n3A_42 = arith.constant 0 : i32
      %select_n3A_43 = arith.select %eq3A_41, %select_n3A_42, %select_n3A_39 : i32
      %add3A_44 = arith.constant 0 : i32
      %add3A_45 = arith.addi %select_n3A_43, %add3A_44 : i32
      %add3A_46 = arith.constant 0 : i32
      %add3A_47 = arith.addi %add3A_46, %mul3A_6 : i32
      %select_n3A_48 = arith.constant true
      %select_n3A_49 = arith.constant 0 : i32
      %select_n3A_50 = arith.constant 1 : i32
      %select_n3A_51 = arith.select %select_n3A_48, %select_n3A_50, %select_n3A_49 : i32
      %eq3A_52 = arith.constant 1 : i32
      %eq3A_53 = arith.cmpi eq, %select_n3A_51, %eq3A_52 : i32
      %select_n3A_54 = arith.constant 0 : i32
      %select_n3A_55 = arith.select %eq3A_53, %select_n3A_54, %select_n3A_51 : i32
      %add3A_56 = arith.constant 1 : i32
      %add3A_57 = arith.addi %select_n3A_43, %add3A_56 : i32
      %select_n3A_58 = arith.select %eq3A_53, %add3A_57, %select_n3A_43 : i32
      %eq3A_59 = arith.constant 25 : i32
      %eq3A_60 = arith.cmpi eq, %select_n3A_58, %eq3A_59 : i32
      %select_n3A_61 = arith.constant 0 : i32
      %select_n3A_62 = arith.select %eq3A_60, %select_n3A_61, %select_n3A_58 : i32
      %add3A_63 = arith.constant 0 : i32
      %add3A_64 = arith.addi %select_n3A_62, %add3A_63 : i32
      %add3A_65 = arith.constant 0 : i32
      %add3A_66 = arith.addi %add3A_65, %mul3A_6 : i32
      %select_n3A_67 = arith.constant true
      %select_n3A_68 = arith.constant 0 : i32
      %select_n3A_69 = arith.constant 1 : i32
      %select_n3A_70 = arith.select %select_n3A_67, %select_n3A_69, %select_n3A_68 : i32
      %eq3A_71 = arith.constant 1 : i32
      %eq3A_72 = arith.cmpi eq, %select_n3A_70, %eq3A_71 : i32
      %select_n3A_73 = arith.constant 0 : i32
      %select_n3A_74 = arith.select %eq3A_72, %select_n3A_73, %select_n3A_70 : i32
      %add3A_75 = arith.constant 1 : i32
      %add3A_76 = arith.addi %select_n3A_62, %add3A_75 : i32
      %select_n3A_77 = arith.select %eq3A_72, %add3A_76, %select_n3A_62 : i32
      %eq3A_78 = arith.constant 25 : i32
      %eq3A_79 = arith.cmpi eq, %select_n3A_77, %eq3A_78 : i32
      %select_n3A_80 = arith.constant 0 : i32
      %select_n3A_81 = arith.select %eq3A_79, %select_n3A_80, %select_n3A_77 : i32
      %add3A_82 = arith.constant 0 : i32
      %add3A_83 = arith.addi %select_n3A_81, %add3A_82 : i32
      %add3A_84 = arith.constant 0 : i32
      %add3A_85 = arith.addi %add3A_84, %mul3A_6 : i32
      %select_n3A_86 = arith.constant true
      %select_n3A_87 = arith.constant 0 : i32
      %select_n3A_88 = arith.constant 1 : i32
      %select_n3A_89 = arith.select %select_n3A_86, %select_n3A_88, %select_n3A_87 : i32
      %eq3A_90 = arith.constant 1 : i32
      %eq3A_91 = arith.cmpi eq, %select_n3A_89, %eq3A_90 : i32
      %select_n3A_92 = arith.constant 0 : i32
      %select_n3A_93 = arith.select %eq3A_91, %select_n3A_92, %select_n3A_89 : i32
      %add3A_94 = arith.constant 1 : i32
      %add3A_95 = arith.addi %select_n3A_81, %add3A_94 : i32
      %select_n3A_96 = arith.select %eq3A_91, %add3A_95, %select_n3A_81 : i32
      %eq3A_97 = arith.constant 25 : i32
      %eq3A_98 = arith.cmpi eq, %select_n3A_96, %eq3A_97 : i32
      %select_n3A_99 = arith.constant 0 : i32
      %select_n3A_100 = arith.select %eq3A_98, %select_n3A_99, %select_n3A_96 : i32
      %add3A_101 = arith.constant 0 : i32
      %add3A_102 = arith.addi %select_n3A_100, %add3A_101 : i32
      %add3A_103 = arith.constant 0 : i32
      %add3A_104 = arith.addi %add3A_103, %mul3A_6 : i32
      "tpu.trace_start"() <{level = 10 : i32, message = "ep_initialize_0"}> : () -> ()
      %rem3A = arith.constant 0 : i32
      %rem3A_105 = arith.constant 4 : i32
      %rem3A_106 = arith.remui %rem3A, %rem3A_105 : i32
      %mul3A_107 = arith.constant 4 : i32
      %mul3A_108 = arith.muli %mul3A_107, %add3A_11 : i32
      %dma_start3A = arith.constant 0 : i32
      %dma_start3A_109 = arith.constant 0 : i32
      %dma_start3A_110 = arith.constant 0 : i32
      %dma_start3A_111 = arith.constant 0 : i32
      %dma_start3A_112 = tpu.memref_slice %run_scoped3A[%rem3A_106, %dma_start3A, %dma_start3A_109, %dma_start3A_110, %dma_start3A_111] : memref<4x1x4x8x128xi32, #tpu.memory_space<vmem>> -> memref<1x1x4x8x128xi32, #tpu.memory_space<vmem>>
      %dma_start3A_113 = tpu.memref_squeeze %dma_start3A_112 : memref<1x1x4x8x128xi32, #tpu.memory_space<vmem>> -> memref<1x4x8x128xi32, #tpu.memory_space<vmem>>
      %dma_start3A_114 = arith.constant 0 : i32
      %dma_start3A_115 = arith.constant 0 : i32
      %dma_start3A_116 = arith.constant 0 : i32
      %dma_start3A_117 = tpu.memref_slice %arg2[%dma_start3A_114, %mul3A_108, %dma_start3A_115, %dma_start3A_116] : memref<25x128x8x128xi32, #tpu.memory_space<hbm>> -> memref<1x4x8x128xi32, #tpu.memory_space<hbm>>
      %dma_start3A_118 = tpu.memref_slice %run_scoped3A_7[%rem3A_106] : memref<4x!tpu.dma_semaphore, #tpu.memory_space<semaphore_mem>> -> memref<1x!tpu.dma_semaphore, #tpu.memory_space<semaphore_mem>>
      %dma_start3A_119 = tpu.memref_squeeze %dma_start3A_118 : memref<1x!tpu.dma_semaphore, #tpu.memory_space<semaphore_mem>> -> memref<!tpu.dma_semaphore, #tpu.memory_space<semaphore_mem>>
      %dma_start3A_120 = arith.constant 0 : i32
      %dma_start3A_121 = arith.constant 0 : i32
      %dma_start3A_122 = arith.constant 0 : i32
      %dma_start3A_123 = arith.constant 0 : i32
      %dma_start3A_124 = tpu.memref_slice %run_scoped3A[%rem3A_106, %dma_start3A_120, %dma_start3A_121, %dma_start3A_122, %dma_start3A_123] : memref<4x1x4x8x128xi32, #tpu.memory_space<vmem>> -> memref<1x1x4x8x128xi32, #tpu.memory_space<vmem>>
      %dma_start3A_125 = tpu.memref_squeeze %dma_start3A_124 : memref<1x1x4x8x128xi32, #tpu.memory_space<vmem>> -> memref<1x4x8x128xi32, #tpu.memory_space<vmem>>
      %dma_start3A_126 = arith.constant 0 : i32
      %dma_start3A_127 = arith.constant 0 : i32
      %dma_start3A_128 = arith.constant 0 : i32
      %dma_start3A_129 = tpu.memref_slice %arg2[%dma_start3A_126, %mul3A_108, %dma_start3A_127, %dma_start3A_128] : memref<25x128x8x128xi32, #tpu.memory_space<hbm>> -> memref<1x4x8x128xi32, #tpu.memory_space<hbm>>
      tpu.enqueue_dma source(%dma_start3A_129 : memref<1x4x8x128xi32, #tpu.memory_space<hbm>>) target(%dma_start3A_125 : memref<1x4x8x128xi32, #tpu.memory_space<vmem>>) target_semaphore(%dma_start3A_119 : memref<!tpu.dma_semaphore, #tpu.memory_space<semaphore_mem>>)
      %add3A_130 = arith.constant 0 : i32
      %add3A_131 = arith.constant 1 : i32
      %add3A_132 = arith.addi %add3A_130, %add3A_131 : i32
      %select_n3A_133 = arith.constant true
      %select_n3A_134 = arith.constant 0 : i32
      %select_n3A_135 = arith.select %select_n3A_133, %add3A_132, %select_n3A_134 : i32
      %ne3A = arith.constant 0 : i32
      "tpu.trace_stop"() : () -> ()
      "tpu.trace_start"() <{level = 10 : i32, message = "ep_initialize_1"}> : () -> ()
      %ne3A_136 = arith.cmpi ne, %add3A_45, %ne3A : i32
      %ne3A_137 = arith.cmpi ne, %add3A_47, %add3A_11 : i32
      %or3A = arith.constant false
      %or3A_138 = arith.ori %or3A, %ne3A_136 : i1
      %or3A_139 = arith.ori %or3A_138, %ne3A_137 : i1
      %or3A_140 = arith.constant false
      %or3A_141 = arith.ori %or3A_139, %or3A_140 : i1
      %or3A_142 = arith.constant false
      %or3A_143 = arith.ori %or3A_141, %or3A_142 : i1
      %and3A = arith.constant true
      %and3A_144 = arith.andi %and3A, %or3A_143 : i1
      %convert_element_type3A = arith.extui %and3A_144 : i1 to i32
      %cond3A = arith.constant 0 : i32
      %cond3A_145 = arith.cmpi ne, %convert_element_type3A, %cond3A : i32
      scf.if %cond3A_145 {
        %rem3A_314 = arith.constant 4 : i32
        %rem3A_315 = arith.remui %select_n3A_135, %rem3A_314 : i32
        %mul3A_316 = arith.constant 1 : i32
        %mul3A_317 = arith.muli %mul3A_316, %add3A_45 : i32
        %mul3A_318 = arith.constant 4 : i32
        %mul3A_319 = arith.muli %mul3A_318, %add3A_47 : i32
        %dma_start3A_320 = arith.constant 0 : i32
        %dma_start3A_321 = arith.constant 0 : i32
        %dma_start3A_322 = arith.constant 0 : i32
        %dma_start3A_323 = arith.constant 0 : i32
        %dma_start3A_324 = tpu.memref_slice %run_scoped3A[%rem3A_315, %dma_start3A_320, %dma_start3A_321, %dma_start3A_322, %dma_start3A_323] : memref<4x1x4x8x128xi32, #tpu.memory_space<vmem>> -> memref<1x1x4x8x128xi32, #tpu.memory_space<vmem>>
        %dma_start3A_325 = tpu.memref_squeeze %dma_start3A_324 : memref<1x1x4x8x128xi32, #tpu.memory_space<vmem>> -> memref<1x4x8x128xi32, #tpu.memory_space<vmem>>
        %dma_start3A_326 = arith.constant 0 : i32
        %dma_start3A_327 = arith.constant 0 : i32
        %dma_start3A_328 = tpu.memref_slice %arg2[%mul3A_317, %mul3A_319, %dma_start3A_326, %dma_start3A_327] : memref<25x128x8x128xi32, #tpu.memory_space<hbm>> -> memref<1x4x8x128xi32, #tpu.memory_space<hbm>>
        %dma_start3A_329 = tpu.memref_slice %run_scoped3A_7[%rem3A_315] : memref<4x!tpu.dma_semaphore, #tpu.memory_space<semaphore_mem>> -> memref<1x!tpu.dma_semaphore, #tpu.memory_space<semaphore_mem>>
        %dma_start3A_330 = tpu.memref_squeeze %dma_start3A_329 : memref<1x!tpu.dma_semaphore, #tpu.memory_space<semaphore_mem>> -> memref<!tpu.dma_semaphore, #tpu.memory_space<semaphore_mem>>
        %dma_start3A_331 = arith.constant 0 : i32
        %dma_start3A_332 = arith.constant 0 : i32
        %dma_start3A_333 = arith.constant 0 : i32
        %dma_start3A_334 = arith.constant 0 : i32
        %dma_start3A_335 = tpu.memref_slice %run_scoped3A[%rem3A_315, %dma_start3A_331, %dma_start3A_332, %dma_start3A_333, %dma_start3A_334] : memref<4x1x4x8x128xi32, #tpu.memory_space<vmem>> -> memref<1x1x4x8x128xi32, #tpu.memory_space<vmem>>
        %dma_start3A_336 = tpu.memref_squeeze %dma_start3A_335 : memref<1x1x4x8x128xi32, #tpu.memory_space<vmem>> -> memref<1x4x8x128xi32, #tpu.memory_space<vmem>>
        %dma_start3A_337 = arith.constant 0 : i32
        %dma_start3A_338 = arith.constant 0 : i32
        %dma_start3A_339 = tpu.memref_slice %arg2[%mul3A_317, %mul3A_319, %dma_start3A_337, %dma_start3A_338] : memref<25x128x8x128xi32, #tpu.memory_space<hbm>> -> memref<1x4x8x128xi32, #tpu.memory_space<hbm>>
        tpu.enqueue_dma source(%dma_start3A_339 : memref<1x4x8x128xi32, #tpu.memory_space<hbm>>) target(%dma_start3A_336 : memref<1x4x8x128xi32, #tpu.memory_space<vmem>>) target_semaphore(%dma_start3A_330 : memref<!tpu.dma_semaphore, #tpu.memory_space<semaphore_mem>>)
      } else {
      }
      %add3A_146 = arith.constant 1 : i32
      %add3A_147 = arith.addi %select_n3A_135, %add3A_146 : i32
      %select_n3A_148 = arith.select %and3A_144, %add3A_147, %select_n3A_135 : i32
      "tpu.trace_stop"() : () -> ()
      "tpu.trace_start"() <{level = 10 : i32, message = "ep_initialize_2"}> : () -> ()
      %ne3A_149 = arith.cmpi ne, %add3A_64, %add3A_45 : i32
      %ne3A_150 = arith.cmpi ne, %add3A_66, %add3A_47 : i32
      %or3A_151 = arith.constant false
      %or3A_152 = arith.ori %or3A_151, %ne3A_149 : i1
      %or3A_153 = arith.ori %or3A_152, %ne3A_150 : i1
      %or3A_154 = arith.constant false
      %or3A_155 = arith.ori %or3A_153, %or3A_154 : i1
      %or3A_156 = arith.constant false
      %or3A_157 = arith.ori %or3A_155, %or3A_156 : i1
      %and3A_158 = arith.constant true
      %and3A_159 = arith.andi %and3A_158, %or3A_157 : i1
      %convert_element_type3A_160 = arith.extui %and3A_159 : i1 to i32
      %cond3A_161 = arith.constant 0 : i32
      %cond3A_162 = arith.cmpi ne, %convert_element_type3A_160, %cond3A_161 : i32
      scf.if %cond3A_162 {
        %rem3A_314 = arith.constant 4 : i32
        %rem3A_315 = arith.remui %select_n3A_148, %rem3A_314 : i32
        %mul3A_316 = arith.constant 1 : i32
        %mul3A_317 = arith.muli %mul3A_316, %add3A_64 : i32
        %mul3A_318 = arith.constant 4 : i32
        %mul3A_319 = arith.muli %mul3A_318, %add3A_66 : i32
        %dma_start3A_320 = arith.constant 0 : i32
        %dma_start3A_321 = arith.constant 0 : i32
        %dma_start3A_322 = arith.constant 0 : i32
        %dma_start3A_323 = arith.constant 0 : i32
        %dma_start3A_324 = tpu.memref_slice %run_scoped3A[%rem3A_315, %dma_start3A_320, %dma_start3A_321, %dma_start3A_322, %dma_start3A_323] : memref<4x1x4x8x128xi32, #tpu.memory_space<vmem>> -> memref<1x1x4x8x128xi32, #tpu.memory_space<vmem>>
        %dma_start3A_325 = tpu.memref_squeeze %dma_start3A_324 : memref<1x1x4x8x128xi32, #tpu.memory_space<vmem>> -> memref<1x4x8x128xi32, #tpu.memory_space<vmem>>
        %dma_start3A_326 = arith.constant 0 : i32
        %dma_start3A_327 = arith.constant 0 : i32
        %dma_start3A_328 = tpu.memref_slice %arg2[%mul3A_317, %mul3A_319, %dma_start3A_326, %dma_start3A_327] : memref<25x128x8x128xi32, #tpu.memory_space<hbm>> -> memref<1x4x8x128xi32, #tpu.memory_space<hbm>>
        %dma_start3A_329 = tpu.memref_slice %run_scoped3A_7[%rem3A_315] : memref<4x!tpu.dma_semaphore, #tpu.memory_space<semaphore_mem>> -> memref<1x!tpu.dma_semaphore, #tpu.memory_space<semaphore_mem>>
        %dma_start3A_330 = tpu.memref_squeeze %dma_start3A_329 : memref<1x!tpu.dma_semaphore, #tpu.memory_space<semaphore_mem>> -> memref<!tpu.dma_semaphore, #tpu.memory_space<semaphore_mem>>
        %dma_start3A_331 = arith.constant 0 : i32
        %dma_start3A_332 = arith.constant 0 : i32
        %dma_start3A_333 = arith.constant 0 : i32
        %dma_start3A_334 = arith.constant 0 : i32
        %dma_start3A_335 = tpu.memref_slice %run_scoped3A[%rem3A_315, %dma_start3A_331, %dma_start3A_332, %dma_start3A_333, %dma_start3A_334] : memref<4x1x4x8x128xi32, #tpu.memory_space<vmem>> -> memref<1x1x4x8x128xi32, #tpu.memory_space<vmem>>
        %dma_start3A_336 = tpu.memref_squeeze %dma_start3A_335 : memref<1x1x4x8x128xi32, #tpu.memory_space<vmem>> -> memref<1x4x8x128xi32, #tpu.memory_space<vmem>>
        %dma_start3A_337 = arith.constant 0 : i32
        %dma_start3A_338 = arith.constant 0 : i32
        %dma_start3A_339 = tpu.memref_slice %arg2[%mul3A_317, %mul3A_319, %dma_start3A_337, %dma_start3A_338] : memref<25x128x8x128xi32, #tpu.memory_space<hbm>> -> memref<1x4x8x128xi32, #tpu.memory_space<hbm>>
        tpu.enqueue_dma source(%dma_start3A_339 : memref<1x4x8x128xi32, #tpu.memory_space<hbm>>) target(%dma_start3A_336 : memref<1x4x8x128xi32, #tpu.memory_space<vmem>>) target_semaphore(%dma_start3A_330 : memref<!tpu.dma_semaphore, #tpu.memory_space<semaphore_mem>>)
      } else {
      }
      %add3A_163 = arith.constant 1 : i32
      %add3A_164 = arith.addi %select_n3A_148, %add3A_163 : i32
      %select_n3A_165 = arith.select %and3A_159, %add3A_164, %select_n3A_148 : i32
      "tpu.trace_stop"() : () -> ()
      %scan3A = arith.constant 0 : i32
      %scan3A_166 = arith.constant 0 : i32
      %scan3A_167 = arith.constant 0 : i32
      %scan3A_168 = arith.constant 0 : i32
      %scan3A_169 = arith.constant 0 : i32
      %scan3A_170 = arith.constant 0 : i32
      %scan3A_171 = arith.constant 25 : i32
      %scan3A_172 = arith.addi %scan3A_170, %scan3A_171 : i32
      %scan3A_173 = arith.constant 1 : i32
      %scan3A_174:6 = scf.for %scan3A_314 = %scan3A_170 to %scan3A_172 step %scan3A_173 iter_args(%scan3A_315 = %select_n3A_165, %scan3A_316 = %scan3A, %scan3A_317 = %scan3A_166, %scan3A_318 = %scan3A_167, %scan3A_319 = %scan3A_168, %scan3A_320 = %scan3A_169) -> (i32, i32, i32, i32, i32, i32)  : i32 {
        %eq3A_321 = arith.constant 0 : i32
        %eq3A_322 = arith.cmpi eq, %scan3A_314, %eq3A_321 : i32
        %eq3A_323 = arith.constant 24 : i32
        %eq3A_324 = arith.cmpi eq, %scan3A_314, %eq3A_323 : i32
        %add3A_325 = arith.constant 0 : i32
        %add3A_326 = arith.addi %scan3A_319, %add3A_325 : i32
        %add3A_327 = arith.constant 0 : i32
        %add3A_328 = arith.addi %add3A_327, %mul3A_6 : i32
        %select_n3A_329 = arith.constant true
        %select_n3A_330 = arith.constant 0 : i32
        %select_n3A_331 = arith.constant -1 : i32
        %select_n3A_332 = arith.select %select_n3A_329, %select_n3A_331, %select_n3A_330 : i32
        %eq3A_333 = arith.constant -1 : i32
        %eq3A_334 = arith.cmpi eq, %select_n3A_332, %eq3A_333 : i32
        %select_n3A_335 = arith.constant 0 : i32
        %select_n3A_336 = arith.select %eq3A_334, %select_n3A_335, %select_n3A_332 : i32
        %sub3A_337 = arith.constant 1 : i32
        %sub3A_338 = arith.subi %scan3A_319, %sub3A_337 : i32
        %select_n3A_339 = arith.select %eq3A_334, %sub3A_338, %scan3A_319 : i32
        %eq3A_340 = arith.constant -1 : i32
        %eq3A_341 = arith.cmpi eq, %select_n3A_339, %eq3A_340 : i32
        %select_n3A_342 = arith.constant 24 : i32
        %select_n3A_343 = arith.select %eq3A_341, %select_n3A_342, %select_n3A_339 : i32
        %add3A_344 = arith.constant 0 : i32
        %add3A_345 = arith.addi %select_n3A_343, %add3A_344 : i32
        %add3A_346 = arith.constant 0 : i32
        %add3A_347 = arith.addi %add3A_346, %mul3A_6 : i32
        %select_n3A_348 = arith.constant true
        %select_n3A_349 = arith.constant 0 : i32
        %select_n3A_350 = arith.constant 1 : i32
        %select_n3A_351 = arith.select %select_n3A_348, %select_n3A_350, %select_n3A_349 : i32
        %eq3A_352 = arith.constant 1 : i32
        %eq3A_353 = arith.cmpi eq, %select_n3A_351, %eq3A_352 : i32
        %select_n3A_354 = arith.constant 0 : i32
        %select_n3A_355 = arith.select %eq3A_353, %select_n3A_354, %select_n3A_351 : i32
        %add3A_356 = arith.constant 1 : i32
        %add3A_357 = arith.addi %scan3A_319, %add3A_356 : i32
        %select_n3A_358 = arith.select %eq3A_353, %add3A_357, %scan3A_319 : i32
        %eq3A_359 = arith.constant 25 : i32
        %eq3A_360 = arith.cmpi eq, %select_n3A_358, %eq3A_359 : i32
        %select_n3A_361 = arith.constant 0 : i32
        %select_n3A_362 = arith.select %eq3A_360, %select_n3A_361, %select_n3A_358 : i32
        %add3A_363 = arith.constant 0 : i32
        %add3A_364 = arith.addi %select_n3A_362, %add3A_363 : i32
        %add3A_365 = arith.constant 0 : i32
        %add3A_366 = arith.addi %add3A_365, %mul3A_6 : i32
        %select_n3A_367 = arith.constant true
        %select_n3A_368 = arith.constant 0 : i32
        %select_n3A_369 = arith.constant 1 : i32
        %select_n3A_370 = arith.select %select_n3A_367, %select_n3A_369, %select_n3A_368 : i32
        %eq3A_371 = arith.constant 1 : i32
        %eq3A_372 = arith.cmpi eq, %select_n3A_370, %eq3A_371 : i32
        %select_n3A_373 = arith.constant 0 : i32
        %select_n3A_374 = arith.select %eq3A_372, %select_n3A_373, %select_n3A_370 : i32
        %add3A_375 = arith.constant 1 : i32
        %add3A_376 = arith.addi %select_n3A_362, %add3A_375 : i32
        %select_n3A_377 = arith.select %eq3A_372, %add3A_376, %select_n3A_362 : i32
        %eq3A_378 = arith.constant 25 : i32
        %eq3A_379 = arith.cmpi eq, %select_n3A_377, %eq3A_378 : i32
        %select_n3A_380 = arith.constant 0 : i32
        %select_n3A_381 = arith.select %eq3A_379, %select_n3A_380, %select_n3A_377 : i32
        %add3A_382 = arith.constant 0 : i32
        %add3A_383 = arith.addi %select_n3A_381, %add3A_382 : i32
        %add3A_384 = arith.constant 0 : i32
        %add3A_385 = arith.addi %add3A_384, %mul3A_6 : i32
        %select_n3A_386 = arith.constant true
        %select_n3A_387 = arith.constant 0 : i32
        %select_n3A_388 = arith.constant 1 : i32
        %select_n3A_389 = arith.select %select_n3A_386, %select_n3A_388, %select_n3A_387 : i32
        %eq3A_390 = arith.constant 1 : i32
        %eq3A_391 = arith.cmpi eq, %select_n3A_389, %eq3A_390 : i32
        %select_n3A_392 = arith.constant 0 : i32
        %select_n3A_393 = arith.select %eq3A_391, %select_n3A_392, %select_n3A_389 : i32
        %add3A_394 = arith.constant 1 : i32
        %add3A_395 = arith.addi %select_n3A_381, %add3A_394 : i32
        %select_n3A_396 = arith.select %eq3A_391, %add3A_395, %select_n3A_381 : i32
        %eq3A_397 = arith.constant 25 : i32
        %eq3A_398 = arith.cmpi eq, %select_n3A_396, %eq3A_397 : i32
        %select_n3A_399 = arith.constant 0 : i32
        %select_n3A_400 = arith.select %eq3A_398, %select_n3A_399, %select_n3A_396 : i32
        %add3A_401 = arith.constant 0 : i32
        %add3A_402 = arith.addi %select_n3A_400, %add3A_401 : i32
        %add3A_403 = arith.constant 0 : i32
        %add3A_404 = arith.addi %add3A_403, %mul3A_6 : i32
        %select_n3A_405 = arith.constant true
        %select_n3A_406 = arith.constant 0 : i32
        %select_n3A_407 = arith.constant 1 : i32
        %select_n3A_408 = arith.select %select_n3A_405, %select_n3A_407, %select_n3A_406 : i32
        %eq3A_409 = arith.constant 1 : i32
        %eq3A_410 = arith.cmpi eq, %select_n3A_408, %eq3A_409 : i32
        %select_n3A_411 = arith.constant 0 : i32
        %select_n3A_412 = arith.select %eq3A_410, %select_n3A_411, %select_n3A_408 : i32
        %add3A_413 = arith.constant 1 : i32
        %add3A_414 = arith.addi %select_n3A_400, %add3A_413 : i32
        %select_n3A_415 = arith.select %eq3A_410, %add3A_414, %select_n3A_400 : i32
        %eq3A_416 = arith.constant 25 : i32
        %eq3A_417 = arith.cmpi eq, %select_n3A_415, %eq3A_416 : i32
        %select_n3A_418 = arith.constant 0 : i32
        %select_n3A_419 = arith.select %eq3A_417, %select_n3A_418, %select_n3A_415 : i32
        %add3A_420 = arith.constant 0 : i32
        %add3A_421 = arith.addi %select_n3A_419, %add3A_420 : i32
        %add3A_422 = arith.constant 0 : i32
        %add3A_423 = arith.addi %add3A_422, %mul3A_6 : i32
        %ne3A_424 = arith.cmpi ne, %add3A_383, %add3A_402 : i32
        %ne3A_425 = arith.cmpi ne, %add3A_385, %add3A_404 : i32
        %or3A_426 = arith.constant false
        %or3A_427 = arith.ori %or3A_426, %ne3A_424 : i1
        %or3A_428 = arith.ori %or3A_427, %ne3A_425 : i1
        %or3A_429 = arith.constant false
        %or3A_430 = arith.ori %or3A_428, %or3A_429 : i1
        %or3A_431 = arith.constant false
        %or3A_432 = arith.ori %or3A_430, %or3A_431 : i1
        %ge3A = arith.constant 22 : i32
        %ge3A_433 = arith.cmpi sge, %scan3A_314, %ge3A : i32
        %not3A = arith.constant true
        %not3A_434 = arith.xori %ge3A_433, %not3A : i1
        %and3A_435 = arith.andi %or3A_432, %not3A_434 : i1
        %convert_element_type3A_436 = arith.extui %and3A_435 : i1 to i32
        %cond3A_437 = arith.constant 0 : i32
        %cond3A_438 = arith.cmpi ne, %convert_element_type3A_436, %cond3A_437 : i32
        scf.if %cond3A_438 {
          "tpu.trace_start"() <{level = 10 : i32, message = "ep_copy_in"}> : () -> ()
          %rem3A_596 = arith.constant 4 : i32
          %rem3A_597 = arith.remui %scan3A_315, %rem3A_596 : i32
          %mul3A_598 = arith.constant 1 : i32
          %mul3A_599 = arith.muli %mul3A_598, %add3A_402 : i32
          %mul3A_600 = arith.constant 4 : i32
          %mul3A_601 = arith.muli %mul3A_600, %add3A_404 : i32
          %dma_start3A_602 = arith.constant 0 : i32
          %dma_start3A_603 = arith.constant 0 : i32
          %dma_start3A_604 = arith.constant 0 : i32
          %dma_start3A_605 = arith.constant 0 : i32
          %dma_start3A_606 = tpu.memref_slice %run_scoped3A[%rem3A_597, %dma_start3A_602, %dma_start3A_603, %dma_start3A_604, %dma_start3A_605] : memref<4x1x4x8x128xi32, #tpu.memory_space<vmem>> -> memref<1x1x4x8x128xi32, #tpu.memory_space<vmem>>
          %dma_start3A_607 = tpu.memref_squeeze %dma_start3A_606 : memref<1x1x4x8x128xi32, #tpu.memory_space<vmem>> -> memref<1x4x8x128xi32, #tpu.memory_space<vmem>>
          %dma_start3A_608 = arith.constant 0 : i32
          %dma_start3A_609 = arith.constant 0 : i32
          %dma_start3A_610 = tpu.memref_slice %arg2[%mul3A_599, %mul3A_601, %dma_start3A_608, %dma_start3A_609] : memref<25x128x8x128xi32, #tpu.memory_space<hbm>> -> memref<1x4x8x128xi32, #tpu.memory_space<hbm>>
          %dma_start3A_611 = tpu.memref_slice %run_scoped3A_7[%rem3A_597] : memref<4x!tpu.dma_semaphore, #tpu.memory_space<semaphore_mem>> -> memref<1x!tpu.dma_semaphore, #tpu.memory_space<semaphore_mem>>
          %dma_start3A_612 = tpu.memref_squeeze %dma_start3A_611 : memref<1x!tpu.dma_semaphore, #tpu.memory_space<semaphore_mem>> -> memref<!tpu.dma_semaphore, #tpu.memory_space<semaphore_mem>>
          %dma_start3A_613 = arith.constant 0 : i32
          %dma_start3A_614 = arith.constant 0 : i32
          %dma_start3A_615 = arith.constant 0 : i32
          %dma_start3A_616 = arith.constant 0 : i32
          %dma_start3A_617 = tpu.memref_slice %run_scoped3A[%rem3A_597, %dma_start3A_613, %dma_start3A_614, %dma_start3A_615, %dma_start3A_616] : memref<4x1x4x8x128xi32, #tpu.memory_space<vmem>> -> memref<1x1x4x8x128xi32, #tpu.memory_space<vmem>>
          %dma_start3A_618 = tpu.memref_squeeze %dma_start3A_617 : memref<1x1x4x8x128xi32, #tpu.memory_space<vmem>> -> memref<1x4x8x128xi32, #tpu.memory_space<vmem>>
          %dma_start3A_619 = arith.constant 0 : i32
          %dma_start3A_620 = arith.constant 0 : i32
          %dma_start3A_621 = tpu.memref_slice %arg2[%mul3A_599, %mul3A_601, %dma_start3A_619, %dma_start3A_620] : memref<25x128x8x128xi32, #tpu.memory_space<hbm>> -> memref<1x4x8x128xi32, #tpu.memory_space<hbm>>
          tpu.enqueue_dma source(%dma_start3A_621 : memref<1x4x8x128xi32, #tpu.memory_space<hbm>>) target(%dma_start3A_618 : memref<1x4x8x128xi32, #tpu.memory_space<vmem>>) target_semaphore(%dma_start3A_612 : memref<!tpu.dma_semaphore, #tpu.memory_space<semaphore_mem>>)
          "tpu.trace_stop"() : () -> ()
        } else {
        }
        %and3A_439 = arith.constant true
        %and3A_440 = arith.andi %and3A_435, %and3A_439 : i1
        %add3A_441 = arith.constant 1 : i32
        %add3A_442 = arith.addi %scan3A_315, %add3A_441 : i32
        %select_n3A_443 = arith.select %and3A_440, %add3A_442, %scan3A_315 : i32
        %ne3A_444 = arith.cmpi ne, %add3A_326, %add3A_364 : i32
        %ne3A_445 = arith.cmpi ne, %add3A_328, %add3A_366 : i32
        %or3A_446 = arith.constant false
        %or3A_447 = arith.ori %or3A_446, %ne3A_444 : i1
        %or3A_448 = arith.ori %or3A_447, %ne3A_445 : i1
        %or3A_449 = arith.constant false
        %or3A_450 = arith.ori %or3A_448, %or3A_449 : i1
        %or3A_451 = arith.constant false
        %or3A_452 = arith.ori %or3A_450, %or3A_451 : i1
        %ge3A_453 = arith.constant 24 : i32
        %ge3A_454 = arith.cmpi sge, %scan3A_314, %ge3A_453 : i32
        %not3A_455 = arith.constant true
        %not3A_456 = arith.xori %ge3A_454, %not3A_455 : i1
        %and3A_457 = arith.andi %or3A_452, %not3A_456 : i1
        %ne3A_458 = arith.cmpi ne, %add3A_326, %add3A_345 : i32
        %ne3A_459 = arith.cmpi ne, %add3A_328, %add3A_347 : i32
        %or3A_460 = arith.constant false
        %or3A_461 = arith.ori %or3A_460, %ne3A_458 : i1
        %or3A_462 = arith.ori %or3A_461, %ne3A_459 : i1
        %or3A_463 = arith.constant false
        %or3A_464 = arith.ori %or3A_462, %or3A_463 : i1
        %or3A_465 = arith.constant false
        %or3A_466 = arith.ori %or3A_464, %or3A_465 : i1
        %or3A_467 = arith.ori %or3A_466, %eq3A_322 : i1
        %convert_element_type3A_468 = arith.extui %or3A_467 : i1 to i32
        %cond3A_469 = arith.constant 0 : i32
        %cond3A_470 = arith.cmpi ne, %convert_element_type3A_468, %cond3A_469 : i32
        scf.if %cond3A_470 {
          "tpu.trace_start"() <{level = 10 : i32, message = "ep_wait_in"}> : () -> ()
          %mul3A_596 = arith.constant 1 : i32
          %mul3A_597 = arith.muli %mul3A_596, %add3A_326 : i32
          %mul3A_598 = arith.constant 4 : i32
          %mul3A_599 = arith.muli %mul3A_598, %add3A_328 : i32
          %rem3A_600 = arith.constant 4 : i32
          %rem3A_601 = arith.remui %scan3A_316, %rem3A_600 : i32
          %dma_wait3A_602 = arith.constant 0 : i32
          %dma_wait3A_603 = arith.constant 0 : i32
          %dma_wait3A_604 = arith.constant 0 : i32
          %dma_wait3A_605 = arith.constant 0 : i32
          %dma_wait3A_606 = tpu.memref_slice %run_scoped3A[%rem3A_601, %dma_wait3A_602, %dma_wait3A_603, %dma_wait3A_604, %dma_wait3A_605] : memref<4x1x4x8x128xi32, #tpu.memory_space<vmem>> -> memref<1x1x4x8x128xi32, #tpu.memory_space<vmem>>
          %dma_wait3A_607 = tpu.memref_squeeze %dma_wait3A_606 : memref<1x1x4x8x128xi32, #tpu.memory_space<vmem>> -> memref<1x4x8x128xi32, #tpu.memory_space<vmem>>
          %dma_wait3A_608 = arith.constant 0 : i32
          %dma_wait3A_609 = arith.constant 0 : i32
          %dma_wait3A_610 = tpu.memref_slice %arg2[%mul3A_597, %mul3A_599, %dma_wait3A_608, %dma_wait3A_609] : memref<25x128x8x128xi32, #tpu.memory_space<hbm>> -> memref<1x4x8x128xi32, #tpu.memory_space<hbm>>
          %dma_wait3A_611 = tpu.memref_slice %run_scoped3A_7[%rem3A_601] : memref<4x!tpu.dma_semaphore, #tpu.memory_space<semaphore_mem>> -> memref<1x!tpu.dma_semaphore, #tpu.memory_space<semaphore_mem>>
          %dma_wait3A_612 = tpu.memref_squeeze %dma_wait3A_611 : memref<1x!tpu.dma_semaphore, #tpu.memory_space<semaphore_mem>> -> memref<!tpu.dma_semaphore, #tpu.memory_space<semaphore_mem>>
          %dma_wait3A_613 = arith.constant 0 : i32
          %dma_wait3A_614 = arith.constant 0 : i32
          %dma_wait3A_615 = arith.constant 0 : i32
          %dma_wait3A_616 = arith.constant 0 : i32
          %dma_wait3A_617 = tpu.memref_slice %run_scoped3A[%rem3A_601, %dma_wait3A_613, %dma_wait3A_614, %dma_wait3A_615, %dma_wait3A_616] : memref<4x1x4x8x128xi32, #tpu.memory_space<vmem>> -> memref<1x1x4x8x128xi32, #tpu.memory_space<vmem>>
          %dma_wait3A_618 = tpu.memref_squeeze %dma_wait3A_617 : memref<1x1x4x8x128xi32, #tpu.memory_space<vmem>> -> memref<1x4x8x128xi32, #tpu.memory_space<vmem>>
          %dma_wait3A_619 = arith.constant 0 : i32
          %dma_wait3A_620 = arith.constant 0 : i32
          %dma_wait3A_621 = tpu.memref_slice %arg2[%mul3A_597, %mul3A_599, %dma_wait3A_619, %dma_wait3A_620] : memref<25x128x8x128xi32, #tpu.memory_space<hbm>> -> memref<1x4x8x128xi32, #tpu.memory_space<hbm>>
          tpu.wait_dma2 semaphore(%dma_wait3A_612 : memref<!tpu.dma_semaphore, #tpu.memory_space<semaphore_mem>>) src(%dma_wait3A_621 : memref<1x4x8x128xi32, #tpu.memory_space<hbm>>) dst(%dma_wait3A_618 : memref<1x4x8x128xi32, #tpu.memory_space<vmem>>)
          "tpu.trace_stop"() : () -> ()
        } else {
        }
        %ne3A_471 = arith.cmpi ne, %add3A_326, %add3A_345 : i32
        %ne3A_472 = arith.cmpi ne, %add3A_328, %add3A_347 : i32
        %or3A_473 = arith.constant false
        %or3A_474 = arith.ori %or3A_473, %ne3A_471 : i1
        %or3A_475 = arith.ori %or3A_474, %ne3A_472 : i1
        %or3A_476 = arith.constant false
        %or3A_477 = arith.ori %or3A_475, %or3A_476 : i1
        %or3A_478 = arith.constant false
        %or3A_479 = arith.ori %or3A_477, %or3A_478 : i1
        %or3A_480 = arith.ori %or3A_479, %eq3A_322 : i1
        %convert_element_type3A_481 = arith.extui %or3A_480 : i1 to i32
        %cond3A_482 = arith.constant 0 : i32
        %cond3A_483 = arith.cmpi ne, %convert_element_type3A_481, %cond3A_482 : i32
        scf.if %cond3A_483 {
        } else {
        }
        %rem3A_484 = arith.constant 4 : i32
        %rem3A_485 = arith.remui %scan3A_316, %rem3A_484 : i32
        %rem3A_486 = arith.constant 2 : i32
        %rem3A_487 = arith.remui %scan3A_317, %rem3A_486 : i32
        "tpu.trace_start"() <{level = 10 : i32, message = "ep_run_kernel"}> : () -> ()
        %get3A = arith.constant 0 : index
        %get3A_488 = tpu.vector_load %arg5[%get3A] {strides = array<i32>} : memref<128xf32, #tpu.memory_space<vmem>>, vector<16xf32>,
        %get3A_489 = arith.constant 16 : index
        %get3A_490 = tpu.vector_load %arg5[%get3A_489] {strides = array<i32>} : memref<128xf32, #tpu.memory_space<vmem>>, vector<16xf32>,
        %get3A_491 = arith.constant 32 : index
        %get3A_492 = tpu.vector_load %arg5[%get3A_491] {strides = array<i32>} : memref<128xf32, #tpu.memory_space<vmem>>, vector<16xf32>,
        %get3A_493 = arith.constant 48 : index
        %get3A_494 = tpu.vector_load %arg5[%get3A_493] {strides = array<i32>} : memref<128xf32, #tpu.memory_space<vmem>>, vector<16xf32>,
        %parallel_loop3A = arith.constant 0 : i32
        %parallel_loop3A_495 = arith.constant 256 : i32
        %parallel_loop3A_496 = arith.constant 1 : i32
        scf.for %parallel_loop3A_596 = %parallel_loop3A to %parallel_loop3A_495 step %parallel_loop3A_496  : i32 {
          %parallel_loop3A_597 = arith.constant 64 : i32
          %parallel_loop3A_598 = arith.divsi %parallel_loop3A_596, %parallel_loop3A_597 : i32
          %parallel_loop3A_599 = arith.constant 0 : i32
          %parallel_loop3A_600 = arith.cmpi sgt, %parallel_loop3A_596, %parallel_loop3A_599 : i32
          %parallel_loop3A_601 = arith.extui %parallel_loop3A_600 : i1 to i32
          %parallel_loop3A_602 = arith.constant 0 : i32
          %parallel_loop3A_603 = arith.cmpi slt, %parallel_loop3A_596, %parallel_loop3A_602 : i32
          %parallel_loop3A_604 = arith.extui %parallel_loop3A_603 : i1 to i32
          %parallel_loop3A_605 = arith.subi %parallel_loop3A_601, %parallel_loop3A_604 : i32
          %parallel_loop3A_606 = arith.constant 0 : i32
          %parallel_loop3A_607 = arith.cmpi sgt, %parallel_loop3A_597, %parallel_loop3A_606 : i32
          %parallel_loop3A_608 = arith.extui %parallel_loop3A_607 : i1 to i32
          %parallel_loop3A_609 = arith.constant 0 : i32
          %parallel_loop3A_610 = arith.cmpi slt, %parallel_loop3A_597, %parallel_loop3A_609 : i32
          %parallel_loop3A_611 = arith.extui %parallel_loop3A_610 : i1 to i32
          %parallel_loop3A_612 = arith.subi %parallel_loop3A_608, %parallel_loop3A_611 : i32
          %parallel_loop3A_613 = arith.cmpi ne, %parallel_loop3A_605, %parallel_loop3A_612 : i32
          %parallel_loop3A_614 = arith.remsi %parallel_loop3A_596, %parallel_loop3A_597 : i32
          %parallel_loop3A_615 = arith.constant 0 : i32
          %parallel_loop3A_616 = arith.cmpi ne, %parallel_loop3A_614, %parallel_loop3A_615 : i32
          %parallel_loop3A_617 = arith.andi %parallel_loop3A_613, %parallel_loop3A_616 : i1
          %parallel_loop3A_618 = arith.constant 1 : i32
          %parallel_loop3A_619 = arith.subi %parallel_loop3A_598, %parallel_loop3A_618 : i32
          %parallel_loop3A_620 = arith.select %parallel_loop3A_617, %parallel_loop3A_619, %parallel_loop3A_598 : i32
          %parallel_loop3A_621 = arith.constant 8 : i32
          %parallel_loop3A_622 = arith.divsi %parallel_loop3A_596, %parallel_loop3A_621 : i32
          %parallel_loop3A_623 = arith.constant 0 : i32
          %parallel_loop3A_624 = arith.cmpi sgt, %parallel_loop3A_596, %parallel_loop3A_623 : i32
          %parallel_loop3A_625 = arith.extui %parallel_loop3A_624 : i1 to i32
          %parallel_loop3A_626 = arith.constant 0 : i32
          %parallel_loop3A_627 = arith.cmpi slt, %parallel_loop3A_596, %parallel_loop3A_626 : i32
          %parallel_loop3A_628 = arith.extui %parallel_loop3A_627 : i1 to i32
          %parallel_loop3A_629 = arith.subi %parallel_loop3A_625, %parallel_loop3A_628 : i32
          %parallel_loop3A_630 = arith.constant 0 : i32
          %parallel_loop3A_631 = arith.cmpi sgt, %parallel_loop3A_621, %parallel_loop3A_630 : i32
          %parallel_loop3A_632 = arith.extui %parallel_loop3A_631 : i1 to i32
          %parallel_loop3A_633 = arith.constant 0 : i32
          %parallel_loop3A_634 = arith.cmpi slt, %parallel_loop3A_621, %parallel_loop3A_633 : i32
          %parallel_loop3A_635 = arith.extui %parallel_loop3A_634 : i1 to i32
          %parallel_loop3A_636 = arith.subi %parallel_loop3A_632, %parallel_loop3A_635 : i32
          %parallel_loop3A_637 = arith.cmpi ne, %parallel_loop3A_629, %parallel_loop3A_636 : i32
          %parallel_loop3A_638 = arith.remsi %parallel_loop3A_596, %parallel_loop3A_621 : i32
          %parallel_loop3A_639 = arith.constant 0 : i32
          %parallel_loop3A_640 = arith.cmpi ne, %parallel_loop3A_638, %parallel_loop3A_639 : i32
          %parallel_loop3A_641 = arith.andi %parallel_loop3A_637, %parallel_loop3A_640 : i1
          %parallel_loop3A_642 = arith.constant 1 : i32
          %parallel_loop3A_643 = arith.subi %parallel_loop3A_622, %parallel_loop3A_642 : i32
          %parallel_loop3A_644 = arith.select %parallel_loop3A_641, %parallel_loop3A_643, %parallel_loop3A_622 : i32
          %parallel_loop3A_645 = arith.constant 8 : i32
          %parallel_loop3A_646 = arith.constant 0 : i32
          %parallel_loop3A_647 = arith.cmpi eq, %parallel_loop3A_645, %parallel_loop3A_646 : i32
          %parallel_loop3A_648 = arith.constant 1 : i32
          %parallel_loop3A_649 = arith.select %parallel_loop3A_647, %parallel_loop3A_648, %parallel_loop3A_645 : i32
          %parallel_loop3A_650 = arith.remsi %parallel_loop3A_644, %parallel_loop3A_649 : i32
          %parallel_loop3A_651 = arith.constant 0 : i32
          %parallel_loop3A_652 = arith.cmpi ne, %parallel_loop3A_650, %parallel_loop3A_651 : i32
          %parallel_loop3A_653 = arith.constant 0 : i32
          %parallel_loop3A_654 = arith.cmpi slt, %parallel_loop3A_650, %parallel_loop3A_653 : i32
          %parallel_loop3A_655 = arith.constant 0 : i32
          %parallel_loop3A_656 = arith.cmpi slt, %parallel_loop3A_649, %parallel_loop3A_655 : i32
          %parallel_loop3A_657 = arith.xori %parallel_loop3A_654, %parallel_loop3A_656 : i1
          %parallel_loop3A_658 = arith.andi %parallel_loop3A_657, %parallel_loop3A_652 : i1
          %parallel_loop3A_659 = arith.addi %parallel_loop3A_650, %parallel_loop3A_649 : i32
          %parallel_loop3A_660 = arith.select %parallel_loop3A_658, %parallel_loop3A_659, %parallel_loop3A_650 : i32
          %parallel_loop3A_661 = arith.constant 8 : i32
          %parallel_loop3A_662 = arith.constant 0 : i32
          %parallel_loop3A_663 = arith.cmpi eq, %parallel_loop3A_661, %parallel_loop3A_662 : i32
          %parallel_loop3A_664 = arith.constant 1 : i32
          %parallel_loop3A_665 = arith.select %parallel_loop3A_663, %parallel_loop3A_664, %parallel_loop3A_661 : i32
          %parallel_loop3A_666 = arith.remsi %parallel_loop3A_596, %parallel_loop3A_665 : i32
          %parallel_loop3A_667 = arith.constant 0 : i32
          %parallel_loop3A_668 = arith.cmpi ne, %parallel_loop3A_666, %parallel_loop3A_667 : i32
          %parallel_loop3A_669 = arith.constant 0 : i32
          %parallel_loop3A_670 = arith.cmpi slt, %parallel_loop3A_666, %parallel_loop3A_669 : i32
          %parallel_loop3A_671 = arith.constant 0 : i32
          %parallel_loop3A_672 = arith.cmpi slt, %parallel_loop3A_665, %parallel_loop3A_671 : i32
          %parallel_loop3A_673 = arith.xori %parallel_loop3A_670, %parallel_loop3A_672 : i1
          %parallel_loop3A_674 = arith.andi %parallel_loop3A_673, %parallel_loop3A_668 : i1
          %parallel_loop3A_675 = arith.addi %parallel_loop3A_666, %parallel_loop3A_665 : i32
          %parallel_loop3A_676 = arith.select %parallel_loop3A_674, %parallel_loop3A_675, %parallel_loop3A_666 : i32
          %parallel_loop3A_677 = arith.constant 16 : i32
          %parallel_loop3A_678 = arith.muli %parallel_loop3A_676, %parallel_loop3A_677 : i32
          %parallel_loop3A_679 = arith.constant 0 : i32
          %parallel_loop3A_680 = arith.constant 0 : i32
          %parallel_loop3A_681 = arith.constant 0 : i32
          %parallel_loop3A_682 = arith.constant 0 : i32
          %parallel_loop3A_683 = arith.constant 0 : i32
          %parallel_loop3A_684 = tpu.memref_slice %run_scoped3A[%rem3A_485, %parallel_loop3A_680, %parallel_loop3A_681, %parallel_loop3A_682, %parallel_loop3A_683] : memref<4x1x4x8x128xi32, #tpu.memory_space<vmem>> -> memref<1x1x4x8x128xi32, #tpu.memory_space<vmem>>
          %parallel_loop3A_685 = tpu.memref_squeeze %parallel_loop3A_684 : memref<1x1x4x8x128xi32, #tpu.memory_space<vmem>> -> memref<1x4x8x128xi32, #tpu.memory_space<vmem>>
          %parallel_loop3A_686 = arith.index_cast %parallel_loop3A_679 : i32 to index
          %parallel_loop3A_687 = arith.index_cast %parallel_loop3A_620 : i32 to index
          %parallel_loop3A_688 = arith.index_cast %parallel_loop3A_660 : i32 to index
          %parallel_loop3A_689 = arith.index_cast %parallel_loop3A_678 : i32 to index
          %parallel_loop3A_690 = tpu.vector_load %parallel_loop3A_685[%parallel_loop3A_686, %parallel_loop3A_687, %parallel_loop3A_688, %parallel_loop3A_689] {strides = array<i32>} : memref<1x4x8x128xi32, #tpu.memory_space<vmem>>, vector<16xi32>,
          %parallel_loop3A_691 = arith.constant 15 : i32
          %parallel_loop3A_692 = vector.broadcast %parallel_loop3A_691 : i32 to vector<16xi32>
          %parallel_loop3A_693 = arith.andi %parallel_loop3A_690, %parallel_loop3A_692 : vector<16xi32>
          %parallel_loop3A_694 = arith.constant 16 : i32
          %parallel_loop3A_695 = vector.broadcast %parallel_loop3A_694 : i32 to vector<16xi32>
          %parallel_loop3A_696 = arith.cmpi slt, %parallel_loop3A_690, %parallel_loop3A_695 : vector<16xi32>
          %parallel_loop3A_697 = arith.constant 0 : i32
          %parallel_loop3A_698 = vector.broadcast %parallel_loop3A_697 : i32 to vector<16xi32>
          %parallel_loop3A_699 = arith.cmpi slt, %parallel_loop3A_693, %parallel_loop3A_698 : vector<16xi32>
          %parallel_loop3A_700 = arith.constant 16 : i32
          %parallel_loop3A_701 = vector.broadcast %parallel_loop3A_700 : i32 to vector<16xi32>
          %parallel_loop3A_702 = arith.addi %parallel_loop3A_693, %parallel_loop3A_701 : vector<16xi32>
          %parallel_loop3A_703 = arith.select %parallel_loop3A_699, %parallel_loop3A_702, %parallel_loop3A_693 : vector<16xi1>, vector<16xi32>
          %parallel_loop3A_704 = vector.shape_cast %parallel_loop3A_703 : vector<16xi32> to vector<16x1xi32>
          %parallel_loop3A_705 = vector.shape_cast %parallel_loop3A_704 : vector<16x1xi32> to vector<16xi32>
          %parallel_loop3A_706 = tpu.dynamic_gather %get3A_488[%parallel_loop3A_705] in [0] : vector<16xf32>, vector<16xi32> -> vector<16xf32>
          %parallel_loop3A_707 = arith.constant 0 : i32
          %parallel_loop3A_708 = vector.broadcast %parallel_loop3A_707 : i32 to vector<16xi32>
          %parallel_loop3A_709 = arith.cmpi slt, %parallel_loop3A_693, %parallel_loop3A_708 : vector<16xi32>
          %parallel_loop3A_710 = arith.constant 16 : i32
          %parallel_loop3A_711 = vector.broadcast %parallel_loop3A_710 : i32 to vector<16xi32>
          %parallel_loop3A_712 = arith.addi %parallel_loop3A_693, %parallel_loop3A_711 : vector<16xi32>
          %parallel_loop3A_713 = arith.select %parallel_loop3A_709, %parallel_loop3A_712, %parallel_loop3A_693 : vector<16xi1>, vector<16xi32>
          %parallel_loop3A_714 = vector.shape_cast %parallel_loop3A_713 : vector<16xi32> to vector<16x1xi32>
          %parallel_loop3A_715 = vector.shape_cast %parallel_loop3A_714 : vector<16x1xi32> to vector<16xi32>
          %parallel_loop3A_716 = tpu.dynamic_gather %get3A_490[%parallel_loop3A_715] in [0] : vector<16xf32>, vector<16xi32> -> vector<16xf32>
          %parallel_loop3A_717 = arith.select %parallel_loop3A_696, %parallel_loop3A_706, %parallel_loop3A_716 : vector<16xi1>, vector<16xf32>
          %parallel_loop3A_718 = arith.constant 0 : i32
          %parallel_loop3A_719 = vector.broadcast %parallel_loop3A_718 : i32 to vector<16xi32>
          %parallel_loop3A_720 = arith.cmpi slt, %parallel_loop3A_693, %parallel_loop3A_719 : vector<16xi32>
          %parallel_loop3A_721 = arith.constant 16 : i32
          %parallel_loop3A_722 = vector.broadcast %parallel_loop3A_721 : i32 to vector<16xi32>
          %parallel_loop3A_723 = arith.addi %parallel_loop3A_693, %parallel_loop3A_722 : vector<16xi32>
          %parallel_loop3A_724 = arith.select %parallel_loop3A_720, %parallel_loop3A_723, %parallel_loop3A_693 : vector<16xi1>, vector<16xi32>
          %parallel_loop3A_725 = vector.shape_cast %parallel_loop3A_724 : vector<16xi32> to vector<16x1xi32>
          %parallel_loop3A_726 = vector.shape_cast %parallel_loop3A_725 : vector<16x1xi32> to vector<16xi32>
          %parallel_loop3A_727 = tpu.dynamic_gather %get3A_492[%parallel_loop3A_726] in [0] : vector<16xf32>, vector<16xi32> -> vector<16xf32>
          %parallel_loop3A_728 = arith.constant 0 : i32
          %parallel_loop3A_729 = vector.broadcast %parallel_loop3A_728 : i32 to vector<16xi32>
          %parallel_loop3A_730 = arith.cmpi slt, %parallel_loop3A_693, %parallel_loop3A_729 : vector<16xi32>
          %parallel_loop3A_731 = arith.constant 16 : i32
          %parallel_loop3A_732 = vector.broadcast %parallel_loop3A_731 : i32 to vector<16xi32>
          %parallel_loop3A_733 = arith.addi %parallel_loop3A_693, %parallel_loop3A_732 : vector<16xi32>
          %parallel_loop3A_734 = arith.select %parallel_loop3A_730, %parallel_loop3A_733, %parallel_loop3A_693 : vector<16xi1>, vector<16xi32>
          %parallel_loop3A_735 = vector.shape_cast %parallel_loop3A_734 : vector<16xi32> to vector<16x1xi32>
          %parallel_loop3A_736 = vector.shape_cast %parallel_loop3A_735 : vector<16x1xi32> to vector<16xi32>
          %parallel_loop3A_737 = tpu.dynamic_gather %get3A_494[%parallel_loop3A_736] in [0] : vector<16xf32>, vector<16xi32> -> vector<16xf32>
          %parallel_loop3A_738 = arith.select %parallel_loop3A_696, %parallel_loop3A_727, %parallel_loop3A_737 : vector<16xi1>, vector<16xf32>
          %parallel_loop3A_739 = arith.constant 64 : i32
          %parallel_loop3A_740 = vector.broadcast %parallel_loop3A_739 : i32 to vector<16xi32>
          %parallel_loop3A_741 = arith.addi %parallel_loop3A_690, %parallel_loop3A_740 : vector<16xi32>
          %parallel_loop3A_742 = tpu.vector_load_idx %arg5[%parallel_loop3A_741] : memref<128xf32, #tpu.memory_space<vmem>>[vector<16xi32>], vector<16xf32>,
          %parallel_loop3A_743 = arith.constant 96 : i32
          %parallel_loop3A_744 = vector.broadcast %parallel_loop3A_743 : i32 to vector<16xi32>
          %parallel_loop3A_745 = arith.addi %parallel_loop3A_690, %parallel_loop3A_744 : vector<16xi32>
          %parallel_loop3A_746 = tpu.vector_load_idx %arg5[%parallel_loop3A_745] : memref<128xf32, #tpu.memory_space<vmem>>[vector<16xi32>], vector<16xf32>,
          %parallel_loop3A_747 = arith.constant 0 : i32
          %parallel_loop3A_748 = arith.constant 0 : i32
          %parallel_loop3A_749 = arith.constant 0 : i32
          %parallel_loop3A_750 = arith.constant 0 : i32
          %parallel_loop3A_751 = arith.constant 0 : i32
          %parallel_loop3A_752 = tpu.memref_slice %run_scoped3A_8[%rem3A_487, %parallel_loop3A_748, %parallel_loop3A_749, %parallel_loop3A_750, %parallel_loop3A_751] : memref<2x8x4x4x128xf32, #tpu.memory_space<vmem>> -> memref<1x8x4x4x128xf32, #tpu.memory_space<vmem>>
          %parallel_loop3A_753 = tpu.memref_squeeze %parallel_loop3A_752 : memref<1x8x4x4x128xf32, #tpu.memory_space<vmem>> -> memref<8x4x4x128xf32, #tpu.memory_space<vmem>>
          %parallel_loop3A_754 = arith.index_cast %parallel_loop3A_660 : i32 to index
          %parallel_loop3A_755 = arith.index_cast %parallel_loop3A_620 : i32 to index
          %parallel_loop3A_756 = arith.index_cast %parallel_loop3A_747 : i32 to index
          %parallel_loop3A_757 = arith.index_cast %parallel_loop3A_678 : i32 to index
          %parallel_loop3A_758 = tpu.vector_load %parallel_loop3A_753[%parallel_loop3A_754, %parallel_loop3A_755, %parallel_loop3A_756, %parallel_loop3A_757] {strides = array<i32>} : memref<8x4x4x128xf32, #tpu.memory_space<vmem>>, vector<16xf32>,
          tpu.vector_store %parallel_loop3A_753[%parallel_loop3A_754, %parallel_loop3A_755, %parallel_loop3A_756, %parallel_loop3A_757], %parallel_loop3A_717 {strides = array<i32>} : memref<8x4x4x128xf32, #tpu.memory_space<vmem>>, vector<16xf32>,
          %parallel_loop3A_759 = arith.constant 1 : i32
          %parallel_loop3A_760 = arith.constant 0 : i32
          %parallel_loop3A_761 = arith.constant 0 : i32
          %parallel_loop3A_762 = arith.constant 0 : i32
          %parallel_loop3A_763 = arith.constant 0 : i32
          %parallel_loop3A_764 = tpu.memref_slice %run_scoped3A_8[%rem3A_487, %parallel_loop3A_760, %parallel_loop3A_761, %parallel_loop3A_762, %parallel_loop3A_763] : memref<2x8x4x4x128xf32, #tpu.memory_space<vmem>> -> memref<1x8x4x4x128xf32, #tpu.memory_space<vmem>>
          %parallel_loop3A_765 = tpu.memref_squeeze %parallel_loop3A_764 : memref<1x8x4x4x128xf32, #tpu.memory_space<vmem>> -> memref<8x4x4x128xf32, #tpu.memory_space<vmem>>
          %parallel_loop3A_766 = arith.index_cast %parallel_loop3A_660 : i32 to index
          %parallel_loop3A_767 = arith.index_cast %parallel_loop3A_620 : i32 to index
          %parallel_loop3A_768 = arith.index_cast %parallel_loop3A_759 : i32 to index
          %parallel_loop3A_769 = arith.index_cast %parallel_loop3A_678 : i32 to index
          %parallel_loop3A_770 = tpu.vector_load %parallel_loop3A_765[%parallel_loop3A_766, %parallel_loop3A_767, %parallel_loop3A_768, %parallel_loop3A_769] {strides = array<i32>} : memref<8x4x4x128xf32, #tpu.memory_space<vmem>>, vector<16xf32>,
          tpu.vector_store %parallel_loop3A_765[%parallel_loop3A_766, %parallel_loop3A_767, %parallel_loop3A_768, %parallel_loop3A_769], %parallel_loop3A_738 {strides = array<i32>} : memref<8x4x4x128xf32, #tpu.memory_space<vmem>>, vector<16xf32>,
          %parallel_loop3A_771 = arith.constant 2 : i32
          %parallel_loop3A_772 = arith.constant 0 : i32
          %parallel_loop3A_773 = arith.constant 0 : i32
          %parallel_loop3A_774 = arith.constant 0 : i32
          %parallel_loop3A_775 = arith.constant 0 : i32
          %parallel_loop3A_776 = tpu.memref_slice %run_scoped3A_8[%rem3A_487, %parallel_loop3A_772, %parallel_loop3A_773, %parallel_loop3A_774, %parallel_loop3A_775] : memref<2x8x4x4x128xf32, #tpu.memory_space<vmem>> -> memref<1x8x4x4x128xf32, #tpu.memory_space<vmem>>
          %parallel_loop3A_777 = tpu.memref_squeeze %parallel_loop3A_776 : memref<1x8x4x4x128xf32, #tpu.memory_space<vmem>> -> memref<8x4x4x128xf32, #tpu.memory_space<vmem>>
          %parallel_loop3A_778 = arith.index_cast %parallel_loop3A_660 : i32 to index
          %parallel_loop3A_779 = arith.index_cast %parallel_loop3A_620 : i32 to index
          %parallel_loop3A_780 = arith.index_cast %parallel_loop3A_771 : i32 to index
          %parallel_loop3A_781 = arith.index_cast %parallel_loop3A_678 : i32 to index
          %parallel_loop3A_782 = tpu.vector_load %parallel_loop3A_777[%parallel_loop3A_778, %parallel_loop3A_779, %parallel_loop3A_780, %parallel_loop3A_781] {strides = array<i32>} : memref<8x4x4x128xf32, #tpu.memory_space<vmem>>, vector<16xf32>,
          tpu.vector_store %parallel_loop3A_777[%parallel_loop3A_778, %parallel_loop3A_779, %parallel_loop3A_780, %parallel_loop3A_781], %parallel_loop3A_742 {strides = array<i32>} : memref<8x4x4x128xf32, #tpu.memory_space<vmem>>, vector<16xf32>,
          %parallel_loop3A_783 = arith.constant 3 : i32
          %parallel_loop3A_784 = arith.constant 0 : i32
          %parallel_loop3A_785 = arith.constant 0 : i32
          %parallel_loop3A_786 = arith.constant 0 : i32
          %parallel_loop3A_787 = arith.constant 0 : i32
          %parallel_loop3A_788 = tpu.memref_slice %run_scoped3A_8[%rem3A_487, %parallel_loop3A_784, %parallel_loop3A_785, %parallel_loop3A_786, %parallel_loop3A_787] : memref<2x8x4x4x128xf32, #tpu.memory_space<vmem>> -> memref<1x8x4x4x128xf32, #tpu.memory_space<vmem>>
          %parallel_loop3A_789 = tpu.memref_squeeze %parallel_loop3A_788 : memref<1x8x4x4x128xf32, #tpu.memory_space<vmem>> -> memref<8x4x4x128xf32, #tpu.memory_space<vmem>>
          %parallel_loop3A_790 = arith.index_cast %parallel_loop3A_660 : i32 to index
          %parallel_loop3A_791 = arith.index_cast %parallel_loop3A_620 : i32 to index
          %parallel_loop3A_792 = arith.index_cast %parallel_loop3A_783 : i32 to index
          %parallel_loop3A_793 = arith.index_cast %parallel_loop3A_678 : i32 to index
          %parallel_loop3A_794 = tpu.vector_load %parallel_loop3A_789[%parallel_loop3A_790, %parallel_loop3A_791, %parallel_loop3A_792, %parallel_loop3A_793] {strides = array<i32>} : memref<8x4x4x128xf32, #tpu.memory_space<vmem>>, vector<16xf32>,
          tpu.vector_store %parallel_loop3A_789[%parallel_loop3A_790, %parallel_loop3A_791, %parallel_loop3A_792, %parallel_loop3A_793], %parallel_loop3A_746 {strides = array<i32>} : memref<8x4x4x128xf32, #tpu.memory_space<vmem>>, vector<16xf32>,
        } {sc.loop_unroll_factor = 8 : i64, sc.parallel_access}
        "tpu.trace_stop"() : () -> ()
        %ne3A_497 = arith.cmpi ne, %add3A_326, %add3A_364 : i32
        %ne3A_498 = arith.cmpi ne, %add3A_328, %add3A_366 : i32
        %or3A_499 = arith.constant false
        %or3A_500 = arith.ori %or3A_499, %ne3A_497 : i1
        %or3A_501 = arith.ori %or3A_500, %ne3A_498 : i1
        %or3A_502 = arith.constant false
        %or3A_503 = arith.ori %or3A_501, %or3A_502 : i1
        %or3A_504 = arith.constant false
        %or3A_505 = arith.ori %or3A_503, %or3A_504 : i1
        %or3A_506 = arith.ori %or3A_505, %eq3A_324 : i1
        %convert_element_type3A_507 = arith.extui %or3A_506 : i1 to i32
        %cond3A_508 = arith.constant 0 : i32
        %cond3A_509 = arith.cmpi ne, %convert_element_type3A_507, %cond3A_508 : i32
        scf.if %cond3A_509 {
        } else {
        }
        %and3A_510 = arith.constant false
        %and3A_511 = arith.andi %or3A_506, %and3A_510 : i1
        %ne3A_512 = arith.cmpi ne, %add3A_326, %add3A_364 : i32
        %ne3A_513 = arith.cmpi ne, %add3A_328, %add3A_366 : i32
        %or3A_514 = arith.constant false
        %or3A_515 = arith.ori %or3A_514, %ne3A_512 : i1
        %or3A_516 = arith.ori %or3A_515, %ne3A_513 : i1
        %or3A_517 = arith.constant false
        %or3A_518 = arith.ori %or3A_516, %or3A_517 : i1
        %or3A_519 = arith.constant false
        %or3A_520 = arith.ori %or3A_518, %or3A_519 : i1
        %or3A_521 = arith.ori %or3A_520, %eq3A_324 : i1
        %convert_element_type3A_522 = arith.extui %or3A_521 : i1 to i32
        %cond3A_523 = arith.constant 0 : i32
        %cond3A_524 = arith.cmpi ne, %convert_element_type3A_522, %cond3A_523 : i32
        scf.if %cond3A_524 {
          "tpu.trace_start"() <{level = 10 : i32, message = "ep_copy_out"}> : () -> ()
          %rem3A_596 = arith.constant 2 : i32
          %rem3A_597 = arith.remui %scan3A_317, %rem3A_596 : i32
          %mul3A_598 = arith.constant 8 : i32
          %mul3A_599 = arith.muli %mul3A_598, %add3A_326 : i32
          %mul3A_600 = arith.constant 4 : i32
          %mul3A_601 = arith.muli %mul3A_600, %add3A_328 : i32
          %dma_start3A_602 = arith.constant 0 : i32
          %dma_start3A_603 = arith.constant 0 : i32
          %dma_start3A_604 = arith.constant 0 : i32
          %dma_start3A_605 = arith.constant 0 : i32
          %dma_start3A_606 = tpu.memref_slice %run_scoped3A_8[%rem3A_597, %dma_start3A_602, %dma_start3A_603, %dma_start3A_604, %dma_start3A_605] : memref<2x8x4x4x128xf32, #tpu.memory_space<vmem>> -> memref<1x8x4x4x128xf32, #tpu.memory_space<vmem>>
          %dma_start3A_607 = tpu.memref_squeeze %dma_start3A_606 : memref<1x8x4x4x128xf32, #tpu.memory_space<vmem>> -> memref<8x4x4x128xf32, #tpu.memory_space<vmem>>
          %dma_start3A_608 = arith.constant 0 : i32
          %dma_start3A_609 = arith.constant 0 : i32
          %dma_start3A_610 = tpu.memref_slice %arg4[%mul3A_599, %mul3A_601, %dma_start3A_608, %dma_start3A_609] : memref<200x128x4x128xf32, #tpu.memory_space<hbm>> -> memref<8x4x4x128xf32, #tpu.memory_space<hbm>>
          %dma_start3A_611 = tpu.memref_slice %run_scoped3A_9[%rem3A_597] : memref<2x!tpu.dma_semaphore, #tpu.memory_space<semaphore_mem>> -> memref<1x!tpu.dma_semaphore, #tpu.memory_space<semaphore_mem>>
          %dma_start3A_612 = tpu.memref_squeeze %dma_start3A_611 : memref<1x!tpu.dma_semaphore, #tpu.memory_space<semaphore_mem>> -> memref<!tpu.dma_semaphore, #tpu.memory_space<semaphore_mem>>
          %dma_start3A_613 = arith.constant 0 : i32
          %dma_start3A_614 = arith.constant 0 : i32
          %dma_start3A_615 = tpu.memref_slice %arg4[%mul3A_599, %mul3A_601, %dma_start3A_613, %dma_start3A_614] : memref<200x128x4x128xf32, #tpu.memory_space<hbm>> -> memref<8x4x4x128xf32, #tpu.memory_space<hbm>>
          %dma_start3A_616 = arith.constant 0 : i32
          %dma_start3A_617 = arith.constant 0 : i32
          %dma_start3A_618 = arith.constant 0 : i32
          %dma_start3A_619 = arith.constant 0 : i32
          %dma_start3A_620 = tpu.memref_slice %run_scoped3A_8[%rem3A_597, %dma_start3A_616, %dma_start3A_617, %dma_start3A_618, %dma_start3A_619] : memref<2x8x4x4x128xf32, #tpu.memory_space<vmem>> -> memref<1x8x4x4x128xf32, #tpu.memory_space<vmem>>
          %dma_start3A_621 = tpu.memref_squeeze %dma_start3A_620 : memref<1x8x4x4x128xf32, #tpu.memory_space<vmem>> -> memref<8x4x4x128xf32, #tpu.memory_space<vmem>>
          tpu.enqueue_dma source(%dma_start3A_621 : memref<8x4x4x128xf32, #tpu.memory_space<vmem>>) target(%dma_start3A_615 : memref<8x4x4x128xf32, #tpu.memory_space<hbm>>) target_semaphore(%dma_start3A_612 : memref<!tpu.dma_semaphore, #tpu.memory_space<semaphore_mem>>)
          "tpu.trace_stop"() : () -> ()
        } else {
        }
        %and3A_525 = arith.constant true
        %and3A_526 = arith.andi %or3A_521, %and3A_525 : i1
        %add3A_527 = arith.constant 1 : i32
        %add3A_528 = arith.addi %scan3A_317, %add3A_527 : i32
        %select_n3A_529 = arith.select %and3A_526, %add3A_528, %scan3A_317 : i32
        %ne3A_530 = arith.cmpi ne, %add3A_326, %add3A_345 : i32
        %ne3A_531 = arith.cmpi ne, %add3A_328, %add3A_347 : i32
        %or3A_532 = arith.constant false
        %or3A_533 = arith.ori %or3A_532, %ne3A_530 : i1
        %or3A_534 = arith.ori %or3A_533, %ne3A_531 : i1
        %or3A_535 = arith.constant false
        %or3A_536 = arith.ori %or3A_534, %or3A_535 : i1
        %or3A_537 = arith.constant false
        %or3A_538 = arith.ori %or3A_536, %or3A_537 : i1
        %not3A_539 = arith.constant true
        %not3A_540 = arith.xori %eq3A_322, %not3A_539 : i1
        %and3A_541 = arith.andi %or3A_538, %not3A_540 : i1
        %convert_element_type3A_542 = arith.extui %and3A_541 : i1 to i32
        %cond3A_543 = arith.constant 0 : i32
        %cond3A_544 = arith.cmpi ne, %convert_element_type3A_542, %cond3A_543 : i32
        scf.if %cond3A_544 {
        } else {
        }
        %and3A_545 = arith.constant false
        %and3A_546 = arith.andi %and3A_541, %and3A_545 : i1
        %ne3A_547 = arith.cmpi ne, %add3A_326, %add3A_345 : i32
        %ne3A_548 = arith.cmpi ne, %add3A_328, %add3A_347 : i32
        %or3A_549 = arith.constant false
        %or3A_550 = arith.ori %or3A_549, %ne3A_547 : i1
        %or3A_551 = arith.ori %or3A_550, %ne3A_548 : i1
        %or3A_552 = arith.constant false
        %or3A_553 = arith.ori %or3A_551, %or3A_552 : i1
        %or3A_554 = arith.constant false
        %or3A_555 = arith.ori %or3A_553, %or3A_554 : i1
        %not3A_556 = arith.constant true
        %not3A_557 = arith.xori %eq3A_322, %not3A_556 : i1
        %and3A_558 = arith.andi %or3A_555, %not3A_557 : i1
        %convert_element_type3A_559 = arith.extui %and3A_558 : i1 to i32
        %cond3A_560 = arith.constant 0 : i32
        %cond3A_561 = arith.cmpi ne, %convert_element_type3A_559, %cond3A_560 : i32
        scf.if %cond3A_561 {
          "tpu.trace_start"() <{level = 10 : i32, message = "ep_wait_out"}> : () -> ()
          %rem3A_596 = arith.constant 2 : i32
          %rem3A_597 = arith.remui %scan3A_318, %rem3A_596 : i32
          %mul3A_598 = arith.constant 8 : i32
          %mul3A_599 = arith.muli %mul3A_598, %add3A_345 : i32
          %mul3A_600 = arith.constant 4 : i32
          %mul3A_601 = arith.muli %mul3A_600, %add3A_347 : i32
          %dma_wait3A_602 = arith.constant 0 : i32
          %dma_wait3A_603 = arith.constant 0 : i32
          %dma_wait3A_604 = arith.constant 0 : i32
          %dma_wait3A_605 = arith.constant 0 : i32
          %dma_wait3A_606 = tpu.memref_slice %run_scoped3A_8[%rem3A_597, %dma_wait3A_602, %dma_wait3A_603, %dma_wait3A_604, %dma_wait3A_605] : memref<2x8x4x4x128xf32, #tpu.memory_space<vmem>> -> memref<1x8x4x4x128xf32, #tpu.memory_space<vmem>>
          %dma_wait3A_607 = tpu.memref_squeeze %dma_wait3A_606 : memref<1x8x4x4x128xf32, #tpu.memory_space<vmem>> -> memref<8x4x4x128xf32, #tpu.memory_space<vmem>>
          %dma_wait3A_608 = arith.constant 0 : i32
          %dma_wait3A_609 = arith.constant 0 : i32
          %dma_wait3A_610 = tpu.memref_slice %arg4[%mul3A_599, %mul3A_601, %dma_wait3A_608, %dma_wait3A_609] : memref<200x128x4x128xf32, #tpu.memory_space<hbm>> -> memref<8x4x4x128xf32, #tpu.memory_space<hbm>>
          %dma_wait3A_611 = tpu.memref_slice %run_scoped3A_9[%rem3A_597] : memref<2x!tpu.dma_semaphore, #tpu.memory_space<semaphore_mem>> -> memref<1x!tpu.dma_semaphore, #tpu.memory_space<semaphore_mem>>
          %dma_wait3A_612 = tpu.memref_squeeze %dma_wait3A_611 : memref<1x!tpu.dma_semaphore, #tpu.memory_space<semaphore_mem>> -> memref<!tpu.dma_semaphore, #tpu.memory_space<semaphore_mem>>
          %dma_wait3A_613 = arith.constant 0 : i32
          %dma_wait3A_614 = arith.constant 0 : i32
          %dma_wait3A_615 = tpu.memref_slice %arg4[%mul3A_599, %mul3A_601, %dma_wait3A_613, %dma_wait3A_614] : memref<200x128x4x128xf32, #tpu.memory_space<hbm>> -> memref<8x4x4x128xf32, #tpu.memory_space<hbm>>
          %dma_wait3A_616 = arith.constant 0 : i32
          %dma_wait3A_617 = arith.constant 0 : i32
          %dma_wait3A_618 = arith.constant 0 : i32
          %dma_wait3A_619 = arith.constant 0 : i32
          %dma_wait3A_620 = tpu.memref_slice %run_scoped3A_8[%rem3A_597, %dma_wait3A_616, %dma_wait3A_617, %dma_wait3A_618, %dma_wait3A_619] : memref<2x8x4x4x128xf32, #tpu.memory_space<vmem>> -> memref<1x8x4x4x128xf32, #tpu.memory_space<vmem>>
          %dma_wait3A_621 = tpu.memref_squeeze %dma_wait3A_620 : memref<1x8x4x4x128xf32, #tpu.memory_space<vmem>> -> memref<8x4x4x128xf32, #tpu.memory_space<vmem>>
          tpu.wait_dma2 semaphore(%dma_wait3A_612 : memref<!tpu.dma_semaphore, #tpu.memory_space<semaphore_mem>>) src(%dma_wait3A_621 : memref<8x4x4x128xf32, #tpu.memory_space<vmem>>) dst(%dma_wait3A_615 : memref<8x4x4x128xf32, #tpu.memory_space<hbm>>)
          "tpu.trace_stop"() : () -> ()
        } else {
        }
        %and3A_562 = arith.constant true
        %and3A_563 = arith.andi %and3A_558, %and3A_562 : i1
        %add3A_564 = arith.constant 1 : i32
        %add3A_565 = arith.addi %scan3A_318, %add3A_564 : i32
        %select_n3A_566 = arith.select %and3A_563, %add3A_565, %scan3A_318 : i32
        %ne3A_567 = arith.cmpi ne, %add3A_326, %add3A_364 : i32
        %ne3A_568 = arith.cmpi ne, %add3A_328, %add3A_366 : i32
        %or3A_569 = arith.constant false
        %or3A_570 = arith.ori %or3A_569, %ne3A_567 : i1
        %or3A_571 = arith.ori %or3A_570, %ne3A_568 : i1
        %or3A_572 = arith.constant false
        %or3A_573 = arith.ori %or3A_571, %or3A_572 : i1
        %or3A_574 = arith.constant false
        %or3A_575 = arith.ori %or3A_573, %or3A_574 : i1
        %or3A_576 = arith.ori %or3A_575, %eq3A_324 : i1
        %add3A_577 = arith.constant 1 : i32
        %add3A_578 = arith.addi %scan3A_316, %add3A_577 : i32
        %select_n3A_579 = arith.select %or3A_576, %add3A_578, %scan3A_316 : i32
        %select_n3A_580 = arith.constant true
        %select_n3A_581 = arith.constant 0 : i32
        %select_n3A_582 = arith.constant 1 : i32
        %select_n3A_583 = arith.select %select_n3A_580, %select_n3A_582, %select_n3A_581 : i32
        %eq3A_584 = arith.constant 1 : i32
        %eq3A_585 = arith.cmpi eq, %select_n3A_583, %eq3A_584 : i32
        %select_n3A_586 = arith.constant 0 : i32
        %select_n3A_587 = arith.select %eq3A_585, %select_n3A_586, %select_n3A_583 : i32
        %add3A_588 = arith.constant 1 : i32
        %add3A_589 = arith.addi %scan3A_319, %add3A_588 : i32
        %select_n3A_590 = arith.select %eq3A_585, %add3A_589, %scan3A_319 : i32
        %eq3A_591 = arith.constant 25 : i32
        %eq3A_592 = arith.cmpi eq, %select_n3A_590, %eq3A_591 : i32
        %select_n3A_593 = arith.constant 0 : i32
        %select_n3A_594 = arith.select %eq3A_592, %select_n3A_593, %select_n3A_590 : i32
        %scan3A_595 = arith.constant 0 : i32
        scf.yield %select_n3A_443, %select_n3A_579, %select_n3A_529, %select_n3A_566, %select_n3A_594, %scan3A_595 : i32, i32, i32, i32, i32, i32
      }
      %scan3A_175 = arith.constant 25 : i32
      %sub3A = arith.constant 1 : i32
      %sub3A_176 = arith.subi %scan3A_174#5, %sub3A : i32
      %select_n3A_177 = arith.constant true
      %select_n3A_178 = arith.select %select_n3A_177, %sub3A_176, %scan3A_174#5 : i32
      %eq3A_179 = arith.constant -1 : i32
      %eq3A_180 = arith.cmpi eq, %select_n3A_178, %eq3A_179 : i32
      %select_n3A_181 = arith.constant 0 : i32
      %select_n3A_182 = arith.select %eq3A_180, %select_n3A_181, %select_n3A_178 : i32
      %sub3A_183 = arith.constant 1 : i32
      %sub3A_184 = arith.subi %scan3A_174#4, %sub3A_183 : i32
      %select_n3A_185 = arith.select %eq3A_180, %sub3A_184, %scan3A_174#4 : i32
      %eq3A_186 = arith.constant -1 : i32
      %eq3A_187 = arith.cmpi eq, %select_n3A_185, %eq3A_186 : i32
      %select_n3A_188 = arith.constant 24 : i32
      %select_n3A_189 = arith.select %eq3A_187, %select_n3A_188, %select_n3A_185 : i32
      %add3A_190 = arith.constant 0 : i32
      %add3A_191 = arith.addi %select_n3A_189, %add3A_190 : i32
      %add3A_192 = arith.constant 0 : i32
      %add3A_193 = arith.addi %add3A_192, %mul3A_6 : i32
      %select_n3A_194 = arith.constant true
      %select_n3A_195 = arith.constant 0 : i32
      %select_n3A_196 = arith.constant -1 : i32
      %select_n3A_197 = arith.select %select_n3A_194, %select_n3A_196, %select_n3A_195 : i32
      %eq3A_198 = arith.constant -1 : i32
      %eq3A_199 = arith.cmpi eq, %select_n3A_197, %eq3A_198 : i32
      %select_n3A_200 = arith.constant 0 : i32
      %select_n3A_201 = arith.select %eq3A_199, %select_n3A_200, %select_n3A_197 : i32
      %sub3A_202 = arith.constant 1 : i32
      %sub3A_203 = arith.subi %select_n3A_189, %sub3A_202 : i32
      %select_n3A_204 = arith.select %eq3A_199, %sub3A_203, %select_n3A_189 : i32
      %eq3A_205 = arith.constant -1 : i32
      %eq3A_206 = arith.cmpi eq, %select_n3A_204, %eq3A_205 : i32
      %select_n3A_207 = arith.constant 24 : i32
      %select_n3A_208 = arith.select %eq3A_206, %select_n3A_207, %select_n3A_204 : i32
      %add3A_209 = arith.constant 0 : i32
      %add3A_210 = arith.addi %select_n3A_208, %add3A_209 : i32
      %add3A_211 = arith.constant 0 : i32
      %add3A_212 = arith.addi %add3A_211, %mul3A_6 : i32
      %select_n3A_213 = arith.constant true
      %select_n3A_214 = arith.constant 0 : i32
      %select_n3A_215 = arith.constant 1 : i32
      %select_n3A_216 = arith.select %select_n3A_213, %select_n3A_215, %select_n3A_214 : i32
      %eq3A_217 = arith.constant 1 : i32
      %eq3A_218 = arith.cmpi eq, %select_n3A_216, %eq3A_217 : i32
      %select_n3A_219 = arith.constant 0 : i32
      %select_n3A_220 = arith.select %eq3A_218, %select_n3A_219, %select_n3A_216 : i32
      %add3A_221 = arith.constant 1 : i32
      %add3A_222 = arith.addi %select_n3A_189, %add3A_221 : i32
      %select_n3A_223 = arith.select %eq3A_218, %add3A_222, %select_n3A_189 : i32
      %eq3A_224 = arith.constant 25 : i32
      %eq3A_225 = arith.cmpi eq, %select_n3A_223, %eq3A_224 : i32
      %select_n3A_226 = arith.constant 0 : i32
      %select_n3A_227 = arith.select %eq3A_225, %select_n3A_226, %select_n3A_223 : i32
      %add3A_228 = arith.constant 0 : i32
      %add3A_229 = arith.addi %select_n3A_227, %add3A_228 : i32
      %add3A_230 = arith.constant 0 : i32
      %add3A_231 = arith.addi %add3A_230, %mul3A_6 : i32
      %select_n3A_232 = arith.constant true
      %select_n3A_233 = arith.constant 0 : i32
      %select_n3A_234 = arith.constant 1 : i32
      %select_n3A_235 = arith.select %select_n3A_232, %select_n3A_234, %select_n3A_233 : i32
      %eq3A_236 = arith.constant 1 : i32
      %eq3A_237 = arith.cmpi eq, %select_n3A_235, %eq3A_236 : i32
      %select_n3A_238 = arith.constant 0 : i32
      %select_n3A_239 = arith.select %eq3A_237, %select_n3A_238, %select_n3A_235 : i32
      %add3A_240 = arith.constant 1 : i32
      %add3A_241 = arith.addi %select_n3A_227, %add3A_240 : i32
      %select_n3A_242 = arith.select %eq3A_237, %add3A_241, %select_n3A_227 : i32
      %eq3A_243 = arith.constant 25 : i32
      %eq3A_244 = arith.cmpi eq, %select_n3A_242, %eq3A_243 : i32
      %select_n3A_245 = arith.constant 0 : i32
      %select_n3A_246 = arith.select %eq3A_244, %select_n3A_245, %select_n3A_242 : i32
      %add3A_247 = arith.constant 0 : i32
      %add3A_248 = arith.addi %select_n3A_246, %add3A_247 : i32
      %add3A_249 = arith.constant 0 : i32
      %add3A_250 = arith.addi %add3A_249, %mul3A_6 : i32
      %select_n3A_251 = arith.constant true
      %select_n3A_252 = arith.constant 0 : i32
      %select_n3A_253 = arith.constant 1 : i32
      %select_n3A_254 = arith.select %select_n3A_251, %select_n3A_253, %select_n3A_252 : i32
      %eq3A_255 = arith.constant 1 : i32
      %eq3A_256 = arith.cmpi eq, %select_n3A_254, %eq3A_255 : i32
      %select_n3A_257 = arith.constant 0 : i32
      %select_n3A_258 = arith.select %eq3A_256, %select_n3A_257, %select_n3A_254 : i32
      %add3A_259 = arith.constant 1 : i32
      %add3A_260 = arith.addi %select_n3A_246, %add3A_259 : i32
      %select_n3A_261 = arith.select %eq3A_256, %add3A_260, %select_n3A_246 : i32
      %eq3A_262 = arith.constant 25 : i32
      %eq3A_263 = arith.cmpi eq, %select_n3A_261, %eq3A_262 : i32
      %select_n3A_264 = arith.constant 0 : i32
      %select_n3A_265 = arith.select %eq3A_263, %select_n3A_264, %select_n3A_261 : i32
      %add3A_266 = arith.constant 0 : i32
      %add3A_267 = arith.addi %select_n3A_265, %add3A_266 : i32
      %add3A_268 = arith.constant 0 : i32
      %add3A_269 = arith.addi %add3A_268, %mul3A_6 : i32
      %select_n3A_270 = arith.constant true
      %select_n3A_271 = arith.constant 0 : i32
      %select_n3A_272 = arith.constant 1 : i32
      %select_n3A_273 = arith.select %select_n3A_270, %select_n3A_272, %select_n3A_271 : i32
      %eq3A_274 = arith.constant 1 : i32
      %eq3A_275 = arith.cmpi eq, %select_n3A_273, %eq3A_274 : i32
      %select_n3A_276 = arith.constant 0 : i32
      %select_n3A_277 = arith.select %eq3A_275, %select_n3A_276, %select_n3A_273 : i32
      %add3A_278 = arith.constant 1 : i32
      %add3A_279 = arith.addi %select_n3A_265, %add3A_278 : i32
      %select_n3A_280 = arith.select %eq3A_275, %add3A_279, %select_n3A_265 : i32
      %eq3A_281 = arith.constant 25 : i32
      %eq3A_282 = arith.cmpi eq, %select_n3A_280, %eq3A_281 : i32
      %select_n3A_283 = arith.constant 0 : i32
      %select_n3A_284 = arith.select %eq3A_282, %select_n3A_283, %select_n3A_280 : i32
      %add3A_285 = arith.constant 0 : i32
      %add3A_286 = arith.addi %select_n3A_284, %add3A_285 : i32
      %add3A_287 = arith.constant 0 : i32
      %add3A_288 = arith.addi %add3A_287, %mul3A_6 : i32
      "tpu.trace_start"() <{level = 10 : i32, message = "ep_finalize"}> : () -> ()
      %rem3A_289 = arith.constant 2 : i32
      %rem3A_290 = arith.remui %scan3A_174#3, %rem3A_289 : i32
      %mul3A_291 = arith.constant 8 : i32
      %mul3A_292 = arith.muli %mul3A_291, %add3A_191 : i32
      %mul3A_293 = arith.constant 4 : i32
      %mul3A_294 = arith.muli %mul3A_293, %add3A_193 : i32
      %dma_wait3A = arith.constant 0 : i32
      %dma_wait3A_295 = arith.constant 0 : i32
      %dma_wait3A_296 = arith.constant 0 : i32
      %dma_wait3A_297 = arith.constant 0 : i32
      %dma_wait3A_298 = tpu.memref_slice %run_scoped3A_8[%rem3A_290, %dma_wait3A, %dma_wait3A_295, %dma_wait3A_296, %dma_wait3A_297] : memref<2x8x4x4x128xf32, #tpu.memory_space<vmem>> -> memref<1x8x4x4x128xf32, #tpu.memory_space<vmem>>
      %dma_wait3A_299 = tpu.memref_squeeze %dma_wait3A_298 : memref<1x8x4x4x128xf32, #tpu.memory_space<vmem>> -> memref<8x4x4x128xf32, #tpu.memory_space<vmem>>
      %dma_wait3A_300 = arith.constant 0 : i32
      %dma_wait3A_301 = arith.constant 0 : i32
      %dma_wait3A_302 = tpu.memref_slice %arg4[%mul3A_292, %mul3A_294, %dma_wait3A_300, %dma_wait3A_301] : memref<200x128x4x128xf32, #tpu.memory_space<hbm>> -> memref<8x4x4x128xf32, #tpu.memory_space<hbm>>
      %dma_wait3A_303 = tpu.memref_slice %run_scoped3A_9[%rem3A_290] : memref<2x!tpu.dma_semaphore, #tpu.memory_space<semaphore_mem>> -> memref<1x!tpu.dma_semaphore, #tpu.memory_space<semaphore_mem>>
      %dma_wait3A_304 = tpu.memref_squeeze %dma_wait3A_303 : memref<1x!tpu.dma_semaphore, #tpu.memory_space<semaphore_mem>> -> memref<!tpu.dma_semaphore, #tpu.memory_space<semaphore_mem>>
      %dma_wait3A_305 = arith.constant 0 : i32
      %dma_wait3A_306 = arith.constant 0 : i32
      %dma_wait3A_307 = tpu.memref_slice %arg4[%mul3A_292, %mul3A_294, %dma_wait3A_305, %dma_wait3A_306] : memref<200x128x4x128xf32, #tpu.memory_space<hbm>> -> memref<8x4x4x128xf32, #tpu.memory_space<hbm>>
      %dma_wait3A_308 = arith.constant 0 : i32
      %dma_wait3A_309 = arith.constant 0 : i32
      %dma_wait3A_310 = arith.constant 0 : i32
      %dma_wait3A_311 = arith.constant 0 : i32
      %dma_wait3A_312 = tpu.memref_slice %run_scoped3A_8[%rem3A_290, %dma_wait3A_308, %dma_wait3A_309, %dma_wait3A_310, %dma_wait3A_311] : memref<2x8x4x4x128xf32, #tpu.memory_space<vmem>> -> memref<1x8x4x4x128xf32, #tpu.memory_space<vmem>>
      %dma_wait3A_313 = tpu.memref_squeeze %dma_wait3A_312 : memref<1x8x4x4x128xf32, #tpu.memory_space<vmem>> -> memref<8x4x4x128xf32, #tpu.memory_space<vmem>>
      tpu.wait_dma2 semaphore(%dma_wait3A_304 : memref<!tpu.dma_semaphore, #tpu.memory_space<semaphore_mem>>) src(%dma_wait3A_313 : memref<8x4x4x128xf32, #tpu.memory_space<vmem>>) dst(%dma_wait3A_307 : memref<8x4x4x128xf32, #tpu.memory_space<hbm>>)
      "tpu.trace_stop"() : () -> ()
      tpu.yield
    }) : () -> ()
    return
  }
}

</mosaic_0001>

<sc_bundles>
// kernel: kernel.3.cloned.1.call-start
scs
__scs_entry_jumppad:
0x0: {  	(pc) =	sbr.rel $0x88, $3  }
0x1: {  	(tag) =	ssettag $0x0;
	lr =	simm.s32 $0x1  }
0x2: {  	[smem:$0x3F9F] =	sst lr;
	_ =	strace $0xD0000000  }
0x3: {  	_ = 	snop  }
0x4: {  	_ = 	snop  }
0x5: {  	_ = 	snop  }
0x6: {  	_ = 	snop  }
0x7: {  	_ = 	snop  }
__scs_overlays_trampoline_lowered:
0x8: {  	[smem:$0x3FAE] =	sst s0  }
0x9: {  	[smem:$0x3FAF] =	sst s1  }
0xa: {  	[smem:$0x3FB0] =	sst s2  }
0xb: {  	[smem:$0x3FB1] =	sst s3  }
0xc: {  	[smem:$0x3FB2] =	sst s4  }
0xd: {  	[smem:$0x3FB3] =	sst s5  }
0xe: {  	[smem:$0x3FB4] =	sst s6  }
0xf: {  	[smem:$0x3FB5] =	sst s7  }
0x10: {  	[smem:$0x3FB6] =	sst s8  }
0x11: {  	[smem:$0x3FB7] =	sst s9;
	s0 =	simm.s32 @!p0 $0x0  }
0x12: {  	s1 =	sld [smem:$0x3F9D];
	s0 =	simm.s32 @p0 $0x1  }
0x13: {  	[smem:$0x3FB8] =	sst s0;
	s0 =	simm.s32 @!p1 $0x0  }
0x14: {  	s2 =	sld [smem:$0x3F9C];
	s0 =	simm.s32 @p1 $0x1  }
0x15: {  	[smem:$0x3FB9] =	sst s0;
	s0 =	simm.s32 @!p2 $0x0  }
0x16: {  	s3 =	sld [smem:$0x3FDB];
	s0 =	simm.s32 @p2 $0x1  }
0x17: {  	s4 =	simm.s32 $0x1BF5;
	[smem:$0x3FBB] =	sst s0  }
0x18: {  	s0 =	sld [smem:$0x3F9E];
	_ =	swait.ge [sflag:s4], $0x0  }
0x19: {  	s7 =	sld [smem:$0x3F9F]  }
0x1a: {  	s8 =	sadd.s32 $0xFFFFE003, lr  }
0x1b: {  	s9 =	sadd.s32 $0xFFFFFEF7, lr;
	s5 =	simm.s32 $0xFFFFFFFF;
	p2 =	slt.u32 s8, $0xFFFFF086  }
0x1c: {  	p1 =	slt.u32 s9, $0xF7A;
	s5 =	simm.s32 @!p2 $0x0  }
0x1d: {  	s5 =	simm.s32 @p1 $0x1;
	p0 =	seq.s32 s7, s2  }
0x1e: {  	s7 =	smul.u32 @!p0 $0xF7A, s2;
	p2 =	seq.s32 @!p0 s5, $0x0  }
0x1f: {  	s9 =	smul.u32 $0xF7A, s1;
	s8 =	simm.s32 @!p0 $0x1BF5;
	p2 =	por !p2, p0  }
0x20: {  	[sflag:s8] =	ssyncset.s32 @!p0 $0xFFFFF086;
	s6 =	sadd.s32 @!p0 s3, s7;
	s7 =	simm.s32 @!p0 $0x108  }
0x21: {  	s3 =	sadd.s32 s3, s9;
	s6 =	sadd.s32 @!p0 $0x88, s6;
	s7 =	simm.s32 @p2 $0x1082  }
0x22: {  	[simem:s7], [sflag:s8] =	dma.local @!p0 [hbm:s6], $0xF7A  }
0x23: {  	s9 =	sor.u32 $0xD0000000, s2;
	s6 =	simm.s32 $0x108;
	_ =	swait.ge @!p0 [sflag:s8], $0x0  }
0x24: {  	s3 =	sadd.s32 $0x88, s3;
	s6 =	simm.s32 @!p1 $0x1082;
	[sflag:s4] =	ssyncset.s32 $0xFFFFF086  }
0x25: {  	[simem:s6], [sflag:s4] =	dma.local [hbm:s3], $0xF7A  }
0x26: {  	[smem:$0x3F9F] =	sst s1;
	(tag) =	ssettag s2;
	_ =	strace s9  }
0x27: {  	s1 =	sld [smem:$0x3FAF]  }
0x28: {  	s2 =	sld [smem:$0x3FB0]  }
0x29: {  	s4 =	sld [smem:$0x3FB2]  }
0x2a: {  	p0 =	seq.s32 s5, $0x0;
	s5 =	sld [smem:$0x3FB3]  }
0x2b: {  	s6 =	sld [smem:$0x3FB4]  }
0x2c: {  	s7 =	sld [smem:$0x3FB5]  }
0x2d: {  	s3 =	simm.s32 $0x108;
	s8 =	sld [smem:$0x3FB6]  }
0x2e: {  	s3 =	simm.s32 @!p0 $0x1082;
	s9 =	sld [smem:$0x3FB7]  }
0x2f: {  	lr =	sadd.s32 s0, s3;
	s0 =	sld [smem:$0x3FAE]  }
0x30: {  	s3 =	sld [smem:$0x3FB1]  }
0x31: {  	[smem:$0x3FBA] =	sst s10  }
0x32: {  	s10 =	sld [smem:$0x3FB8];
	_ =	sdelay $0x3  }
0x33: {  	p0 =	seq.s32 s10, $0x1;
	s10 =	sld [smem:$0x3FBA];
	_ =	sdelay $0x3  }
0x34: {  	[smem:$0x3FBA] =	sst s10  }
0x35: {  	s10 =	sld [smem:$0x3FB9];
	_ =	sdelay $0x3  }
0x36: {  	p1 =	seq.s32 s10, $0x1;
	s10 =	sld [smem:$0x3FBA];
	_ =	sdelay $0x3  }
0x37: {  	[smem:$0x3FBA] =	sst s10  }
0x38: {  	s10 =	sld [smem:$0x3FBB]  }
0x39: {  	_ = 	snop;
	(pc) =	sbr.ind lr, $3  }
0x3a: {  	_ = 	snop  }
0x3b: {  	_ = 	snop  }
0x3c: {  	p2 =	seq.s32 s10, $0x1;
	s10 =	sld [smem:$0x3FBA]  }
0x3d: {  	_ =	shalt  }
0x3e: {  	_ =	shalt  }
0x3f: {  	_ =	shalt  }
0x40: {  	_ =	shalt  }
0x41: {  	_ =	shalt  }
0x42: {  	_ =	shalt  }
0x43: {  	_ =	shalt  }
0x44: {  	_ =	shalt  }
0x45: {  	_ =	shalt  }
0x46: {  	_ =	shalt  }
0x47: {  	_ =	shalt  }
0x48: {  	_ =	shalt  }
0x49: {  	_ =	shalt  }
0x4a: {  	_ =	shalt  }
0x4b: {  	_ =	shalt  }
0x4c: {  	_ =	shalt  }
0x4d: {  	_ =	shalt  }
0x4e: {  	_ =	shalt  }
0x4f: {  	_ =	shalt  }
0x50: {  	_ =	shalt  }
0x51: {  	_ =	shalt  }
0x52: {  	_ =	shalt  }
0x53: {  	_ =	shalt  }
0x54: {  	_ =	shalt  }
0x55: {  	_ =	shalt  }
0x56: {  	_ =	shalt  }
0x57: {  	_ =	shalt  }
0x58: {  	_ =	shalt  }
0x59: {  	_ =	shalt  }
0x5a: {  	_ =	shalt  }
0x5b: {  	_ =	shalt  }
0x5c: {  	_ =	shalt  }
0x5d: {  	_ =	shalt  }
0x5e: {  	_ =	shalt  }
0x5f: {  	_ =	shalt  }
0x60: {  	_ =	shalt  }
0x61: {  	_ =	shalt  }
0x62: {  	_ =	shalt  }
0x63: {  	_ =	shalt  }
0x64: {  	_ =	shalt  }
0x65: {  	_ =	shalt  }
0x66: {  	_ =	shalt  }
0x67: {  	_ =	shalt  }
0x68: {  	_ =	shalt  }
0x69: {  	_ =	shalt  }
0x6a: {  	_ =	shalt  }
0x6b: {  	_ =	shalt  }
0x6c: {  	_ =	shalt  }
0x6d: {  	_ =	shalt  }
0x6e: {  	_ =	shalt  }
0x6f: {  	_ =	shalt  }
0x70: {  	_ =	shalt  }
0x71: {  	_ =	shalt  }
0x72: {  	_ =	shalt  }
0x73: {  	_ =	shalt  }
0x74: {  	_ =	shalt  }
0x75: {  	_ =	shalt  }
0x76: {  	_ =	shalt  }
0x77: {  	_ =	shalt  }
0x78: {  	_ =	shalt  }
0x79: {  	_ =	shalt  }
0x7a: {  	_ =	shalt  }
0x7b: {  	_ =	shalt  }
0x7c: {  	_ =	shalt  }
0x7d: {  	_ =	shalt  }
0x7e: {  	_ =	shalt  }
0x7f: {  	_ =	shalt  }
0x80: {  	_ =	shalt  }
0x81: {  	_ =	shalt  }
0x82: {  	_ =	shalt  }
0x83: {  	_ =	shalt  }
0x84: {  	_ =	shalt  }
0x85: {  	_ =	shalt  }
0x86: {  	_ =	shalt  }
0x87: {  	_ =	shalt  }
.Lfunc_end0:
.L_simem_size_0:
called_computation_lowered:
.L_overlay_start_0:
0x88: {  	s2 =	sld [smem:$0x3FD9]  }
0x89: {  	s3 =	sld [smem:$0x3FFE];
	_ =	sdelay $0x1  }
0x8a: {  	s1 =	srdreg.scid  }
0x8b: {  	s0 =	sand.u32 $0x1, s1  }
0x8c: {  	s17 =	sshll.u32 s0, $0xA;
	s2 =	sadd.s32 s3, s2  }
0x8d: {  	s2 =	sadd.s32 s2, s17  }
0x8e: {  	[smem:$0x3FC6] =	sst s2  }
0x8f: {  	_ = 	snop  }
0x90: {  	s2 =	sld [smem:$0x3FC9]  }
0x91: {  	s18 =	sld [smem:$0x3FD0];
	(tm) =	ssettm $0x1  }
0x92: {  	s4 =	sld [smem:$0x3FFB];
	_ =	sdelay $0x3  }
0x93: {  	_ =	strace s4  }
0x94: {  	s4 =	sld [smem:$0x3FFC];
	_ =	sdelay $0x3  }
0x95: {  	_ =	strace s4  }
0x96: {  	s4 =	sld [smem:$0x3FFD];
	_ =	sdelay $0x3  }
0x97: {  	_ =	strace s4  }
0x98: {  	_ =	strace $0x8FFFFFFF  }
0x99: {  	s19 =	sld [smem:$0x3FDB];
	_ =	sdelay $0x1  }
0x9a: {  	s5 =	simm.s32 $_scs_section_size  }
0x9b: {  	s6 =	simm.s32 $_size__tile_overlayer_lowered;
	s7 =	simm.s32 $_tile_overlayer_lowered  }
0x9c: {  	s22 =	simm.s32 $0x1BFF;
	s21 =	sshll.u32 s7, $0x1;
	s4 =	sadd.s32 s5, s19  }
0x9d: {  	s8 =	simm.s32 $0x0;
	s20 =	sshll.u32 s6, $0x1;
	s6 =	sadd.s32 s21, s4  }
0x9e: {  	[timem:s8], [sflag:s22] =	dma.local [hbm:s6], s20  }
0x9f: {  	_ =	swait.ge [sflag:s22], s20  }
0xa0: {  	s5 =	ssub.s32 $0x0, s20;
	[sflag:s22] =	ssyncset.done $0x0  }
0xa1: {  	[sflag:s22] =	ssyncadd.s32 s5;
	_ =	sdelay $0x1  }
0xa2: {  	s23 =	simm.s32 $0x1B8B  }
0xa3: {  	_ =	swait.ge [sflag:s23], $0x1  }
0xa4: {  	[sflag:s23] =	ssyncset.done $0x0  }
0xa5: {  	s25 =	simm.s32 $0x1B8E;
	s24 =	sld [smem:$0x3FFE];
	[sflag:s23] =	ssyncadd.s32 $0xFFFFFFFF  }
0xa6: {  	s26 =	simm.s32 $execute0_lowered;
	[smem:$0x3FD2] =	sst s25  }
0xa7: {  	s6 =	sshll.u32 s26, $0x1;
	_ =	strace $0x80000046;
	[dreg:$0x1] =	wrdreg $0xFFFFFFFF  }
0xa8: {  	s28 =	simm.s32 $_size_execute0_lowered;
	s4 =	sadd.s32 s4, s6;
	[dreg:$0x0] =	wrdreg $0x0  }
0xa9: {  	s6 =	sshll.u32 s28, $0x1;
	[dreg:$0x2] =	wrdreg s4  }
0xaa: {  	[dreg:$0x3] =	wrdreg s6  }
0xab: {  	[dreg:$0x4] =	wrdreg $0xC0  }
0xac: {  	_ =	task [dreg:s8], $0x5FFFF  }
0xad: {  	[dreg:$0x1] =	wrdreg $0xFFFFFFFF  }
0xae: {  	[dreg:$0x0] =	wrdreg $0x60  }
0xaf: {  	[dreg:$0x2] =	wrdreg s2  }
0xb0: {  	[dreg:$0x3] =	wrdreg s24  }
0xb1: {  	[dreg:$0x4] =	wrdreg s18  }
0xb2: {  	[dreg:$0x5] =	wrdreg $0x9  }
0xb3: {  	_ =	task.clear_ibuf [dreg:s8], $0x6FFFF;
	_ =	strace $0x90000046  }
0xb4: {  	s29 =	simm.s32 $0x9;
	_ =	strace $0x80000051  }
0xb5: {  	_ =	swait.ge [sflag:s29], $0x1  }
0xb6: {  	[sflag:s29] =	ssyncadd.s32 $0xFFFFFFFF  }
0xb7: {  	_ =	strace $0x90000051  }
0xb8: {  	_ =	sfence  }
0xb9: {  	s30 =	sld [smem:$0x0];
	_ =	sdelay $0x2  }
0xba: {  	s31 =	sshll.u32 s1, $0xD;
	s1 =	sshrl.u32 s1, $0x2  }
0xbb: {  	s3 =	sand.u32 $0x4000, s31;
	s1 =	sadd.s32 s1, s30  }
0xbc: {  	s0 =	sor.u32 s3, s0;
	s1 =	sshll.u32 s1, $0x11  }
0xbd: {  	s0 =	sor.u32 s1, s0  }
0xbe: {  	s0 =	sadd.s32 $0x8F2B, s0  }
0xbf: {  	[sflag:s0] =	ssyncadd.remote.s32 $0x1  }
0xc0: {  	_ =	sfence.sel $0xFFFF  }
0xc1: {  	[dreg:$0x0] =	wrdreg $0xFFFFFFFF;
	(pc) =	sbr.abs _section_cstart, $3  }
0xc2: {  	[dreg:$0x1] =	wrdreg $0xFFFFFFFF  }
0xc3: {  	_ =	task.clear_ibuf [dreg:s8], $0x2FFFF;
	_ =	strace $0x9FFFFFFF  }
0xc4: {  	(tm) =	ssettm $0x7FFFFFFF  }
0xc5: {  	_ =	shalt  }
tec
execute0_lowered:
.L_overlay_start_1:
0x0: {  	(tag) =	ssettag $0x1  }
0x1: {  	s1 =	rddreg [dreg:$0x0]  }
0x2: {  	s0 =	rddreg [dreg:$0x1]  }
0x3: {  	s3 =	rddreg [dreg:$0x2]  }
0x4: {  	s2 =	srdreg.scid;
	s6 =	stileid.u32;
	s4 =	simm.s32 $0x0  }
0x5: {  	s12 =	simm.s32 $0x1;
	s15 =	simm.s32 $0x2080;
	s16 =	simm.s32 $0x6  }
0x6: {  	s17 =	simm.s32 $0x0;
	s2 =	sand.u32 $0x1, s2;
	s6 =	sshll.u32 s6, $0x2  }
0x7: {  	[smem:$0x7FF] =	sst s4;
	s5 =	sshll.u32 s2, $0x6;
	s2 =	ssub.s32 $0x2, s2  }
0x8: {  	_ =	strace $0x80000047;
	s10 =	sor.u32 s6, s5;
	s31 =	sshrl.u32 s2, $0x1  }
0x9: {  	s5 =	sadd.s32 $0x400, s0;
	s6 =	sshll.u32 s10, $0x7;
	s0 =	ssub.s32 s2, s31  }
0xa: {  	s7 =	sshll.u32 s10, $0xA;
	s10 =	sshll.u32 s10, $0x9;
	s6 =	sadd.s32 s1, s6  }
0xb: {  	s11 =	smax.u32 s0, $0x1;
	s8 =	sadd.s32 $0x4000, s6;
	s9 =	sadd.s32 $0x8000, s6  }
.LBB2_1:
0xc: {  	[tilespmem:s4], [sflag:$0x1] =	stream.linear.gather [hbm4b:s5+s4], $0x80, $0x38;
	[tilespmem:$0xC080] =	vst v63  }
0xd: {  	_ =	swait.ge [sflag:s12], $0x80  }
0xe: {  	[sflag:s12] =	ssyncset.done $0x0  }
0xf: {  	[sflag:s12] =	ssyncadd.s32 $0xFFFFFF80  }
0x10: {  	s0 =	simm.s32 $0x80;
	_ =	strace $0x80000048  }
0x11: {  	[tilespmem:s0], [sflag:$0x2] =	stream.linear.gather [hbm4b:s6+s4], $0x1000, $0x200038;
	[tilespmem:$0xC080] =	vst v63  }
0x12: {  	_ =	strace $0x90000048  }
0x13: {  	s31 =	simm.s32 $0x1080;
	_ =	strace $0x80000049  }
0x14: {  	[tilespmem:s31], [sflag:$0x3] =	stream.linear.gather [hbm4b:s8+s4], $0x1000, $0x200038;
	[tilespmem:$0xC080] =	vst v63  }
0x15: {  	s18 =	simm.s32 $0x3;
	s24 =	simm.s32 $0x0;
	_ =	strace $0x90000049  }
0x16: {  	s19 =	simm.s32 $0x0;
	s20 =	simm.s32 $0x0;
	_ =	strace $0x8000004A  }
0x17: {  	[tilespmem:s15], [sflag:$0x4] =	stream.linear.gather [hbm4b:s9+s4], $0x1000, $0x200038;
	[tilespmem:$0xC080] =	vst v63  }
0x18: {  	s21 =	simm.s32 $0x0;
	s22 =	simm.s32 $0x0;
	_ =	strace $0x9000004A  }
.LBB2_2:
0x19: {  	s23 =	sadd.s32 $0x1, s24  }
0x1a: {  	p0 =	seq.s32 s23, $0x19  }
0x1b: {  	s23 =	simm.s32 @p0 $0x0  }
0x1c: {  	s0 =	sadd.s32 $0x1, s23  }
0x1d: {  	p0 =	seq.s32 s0, $0x19  }
0x1e: {  	s0 =	simm.s32 @p0 $0x0  }
0x1f: {  	s2 =	sadd.s32 $0x1, s0  }
0x20: {  	p0 =	seq.s32 s2, $0x19  }
0x21: {  	s2 =	simm.s32 @p0 $0x0  }
0x22: {  	p1 =	slt.u32 s22, $0x16;
	p0 =	sne.s32 s0, s2  }
0x23: {  	p0 =	por !p1, !p0  }
0x24: {  	p0 =	por !p0, !p0  }
0x25: {  	s0 =	sshll.u32 @p0 s2, $0x11  }
0x26: {  	s2 =	sand.u32 @p0 $0x3, s18;
	_ =	strace @p0 $0x8000004B;
	s0 =	sor.u32 @p0 s7, s0  }
0x27: {  	s26 =	simm.s32 @p0 $0x0;
	s25 =	sshll.u32 @p0 s2, $0xC;
	s0 =	sshrl.u32 @p0 s0, $0x3  }
0x28: {  	s2 =	sadd.s32 @p0 $0x2, s2;
	s25 =	sor.u32 @p0 $0x80, s25;
	s0 =	sadd.s32 @p0 s1, s0  }
0x29: {  	[tilespmem:s25], [sflag:s2] =	stream.linear.gather @p0 [hbm4b:s0+s26], $0x1000, $0x200038;
	[tilespmem:$0xC080] =	vst v63  }
0x2a: {  	s13 =	sand.u32 $0x3, s21;
	_ =	strace @p0 $0x9000004B  }
0x2b: {  	s0 =	sadd.s32 $0x2, s13;
	_ =	strace $0x8000004C  }
0x2c: {  	s14 =	sshll.u32 s21, $0xC;
	_ =	swait.ge [sflag:s0], $0x1000  }
0x2d: {  	s28 =	simm.s32 $0x0;
	s25 =	simm.s32 $0x0;
	[sflag:s0] =	ssyncset.done $0x0  }
0x2e: {  	s2 =	sand.u32 $0x3FFFFC00, s25;
	[sflag:s0] =	ssyncadd.s32 $0xFFFFF000;
	s0 =	sand.u32 $0x3000, s14  }
0x2f: {  	_ =	strace $0x9000004C;
	s29 =	sor.u32 $0x80, s0;
	s0 =	sand.u32 $0x7, s28  }
0x30: {  	_ =	strace $0x8000004D;
	s2 =	sadd.s32 s2, s29;
	s26 =	sshll.u32 s0, $0x7  }
0x31: {  	v2 =	vld [tilespmem:$0x0];
	s2 =	sadd.s32 s26, s2  }
0x32: {  	v4 =	vld [tilespmem:s2+$0x50]  }
0x33: {  	v5 =	vld [tilespmem:s2+$0x70]  }
0x34: {  	v13 =	vld [tilespmem:s2+$0x40]  }
0x35: {  	v15 =	vld [tilespmem:s2+$0x0]  }
0x36: {  	v6 =	vld [tilespmem:s2+$0x20]  }
0x37: {  	v20 =	vld [tilespmem:s2+$0x10]  }
0x38: {  	v0 =	vld [tilespmem:$0x20];
	v10 =	vand.u32 $0xF, v4  }
0x39: {  	v1 =	vld [tilespmem:$0x30];
	v8 =	vadd.s32 $0x40, v4;
	v11 =	vadd.s32 $0x60, v4;
	v14 =	vadd.s32 $0x40, v5  }
0x3a: {  	v3 =	vld [tilespmem:$0x10];
	v16 =	vadd.s32 $0x60, v5;
	v19 =	vand.u32 $0xF, v5;
	vm2 =	vlt.s32 v4, $0x10  }
0x3b: {  	v22 =	vld [tilespmem:s2+$0x30];
	vm1 =	vlt.s32 v5, $0x10;
	v4 =	vadd.s32 $0x40, v15;
	v23 =	vadd.s32 $0x40, v13  }
0x3c: {  	v25 =	vadd.s32 $0x40, v6;
	v26 =	vadd.s32 $0x60, v6;
	v5 =	vand.u32 $0xF, v20  }
0x3d: {  	s25 =	sand.u32 $0x1, s20;
	v7 =	vld [tilespmem:s2+$0x60];
	v9 =	vand.u32 $0xF, v6;
	v29 =	vadd.s32 $0x40, v20;
	v31 =	vadd.s32 $0x60, v13  }
0x3e: {  	s13 =	sshll.u32 s25, $0xE;
	vm0 =	vlt.s32 v6, $0x10;
	v12 =	vperm.xlane v0, v10;
	v17 =	vperm.xlane v2, v10  }
0x3f: {  	s14 =	simm.s32 $0x0;
	s0 =	sshll.u32 s0, $0xB;
	s26 =	sadd.s32 $0x4080, s13;
	v34 =	vadd.s32 $0x60, v15;
	v18 =	vperm.xlane v1, v10;
	v10 =	vperm.xlane v3, v10;
	v27 =	vld.idx.msk [tilespmem:v8+s4+$0x0], $0xffff  }
0x40: {  	s0 =	sadd.s32 s0, s26;
	s2 =	sand.u32 $0x3FFFFE00, s14;
	vm3 =	vlt.s32 v22, $0x10;
	v21 =	vperm.xlane v1, v19;
	v24 =	vperm.xlane v2, v19;
	v16 =	vld.idx.msk [tilespmem:v16+s4+$0x0], $0xffff  }
0x41: {  	s30 =	sadd.s32 s2, s0;
	v28 =	vperm.xlane v0, v19;
	v30 =	vperm.xlane v2, v5;
	v17 =	vsel vm2, v17, v10;
	v32 =	vld.idx.msk [tilespmem:v14+s4+$0x0], $0xffff  }
0x42: {  	v59 =	vadd.s32 $0x40, v7;
	v12 =	vsel vm2, v12, v18;
	v11 =	vld.idx.msk [tilespmem:v11+s4+$0x0], $0xffff;
	v14 =	vperm.xlane v3, v19;
	[tilespmem:s30+$0x50] =	vst v17  }
0x43: {  	v33 =	vperm.xlane v3, v5;
	v6 =	vperm.xlane v0, v9;
	v28 =	vsel vm1, v28, v21;
	[tilespmem:s30+$0xD0] =	vst v12  }
0x44: {  	v60 =	vand.u32 $0xF, v15;
	v35 =	vld.idx.msk [tilespmem:v4+s4+$0x0], $0xffff;
	v4 =	vperm.xlane v1, v9;
	[tilespmem:s30+$0xF0] =	vst v28;
	v12 =	vsel vm1, v24, v14  }
0x45: {  	v61 =	vperm.xlane v3, v60;
	v63 =	vperm.xlane v2, v60;
	v18 =	vand.u32 $0xF, v22;
	v36 =	vld.idx.msk [tilespmem:v23+s4+$0x0], $0xffff;
	[tilespmem:s30+$0x70] =	vst v12  }
0x46: {  	v21 =	vperm.xlane v1, v60;
	v17 =	vadd.s32 $0x60, v22;
	v10 =	vsel vm0, v6, v4;
	v4 =	vld.idx.msk [tilespmem:v29+s4+$0x0], $0xffff;
	[tilespmem:s30+$0x150] =	vst v27  }
0x47: {  	v58 =	vperm.xlane v3, v18;
	v19 =	vperm.xlane v2, v18;
	v6 =	vld.idx.msk [tilespmem:v26+s4+$0x0], $0xffff;
	v26 =	vadd.s32 $0x60, v7;
	[tilespmem:s30+$0x1F0] =	vst v16  }
0x48: {  	v23 =	vperm.xlane v0, v18;
	v14 =	vld.idx.msk [tilespmem:v31+s4+$0x0], $0xffff;
	v24 =	vadd.s32 $0x60, v20;
	v16 =	vperm.xlane v1, v18;
	[tilespmem:s30+$0x170] =	vst v32  }
0x49: {  	vm2 =	vlt.s32 v15, $0x10;
	v12 =	vld.idx.msk [tilespmem:v34+s4+$0x0], $0xffff;
	v27 =	vand.u32 $0xF, v13;
	v18 =	vsel vm3, v19, v58;
	[tilespmem:s30+$0x1D0] =	vst v11  }
0x4a: {  	v11 =	vld.idx.msk [tilespmem:v25+s4+$0x0], $0xffff;
	v19 =	vperm.xlane v2, v27;
	v16 =	vsel vm3, v23, v16;
	v23 =	vperm.xlane v3, v27  }
0x4b: {  	[tilespmem:s30+$0x100] =	vst v35;
	v17 =	vld.idx.msk [tilespmem:v17+s4+$0x0], $0xffff;
	v25 =	vperm.xlane v0, v27;
	vm3 =	vlt.s32 v13, $0x10;
	v27 =	vperm.xlane v1, v27  }
0x4c: {  	v8 =	vperm.xlane v2, v9;
	[tilespmem:s30+$0x140] =	vst v36;
	v13 =	vld.idx.msk [tilespmem:v26+s4+$0x0], $0xffff;
	v62 =	vsel vm3, v19, v23;
	v19 =	vadd.s32 $0x40, v22  }
0x4d: {  	vm1 =	vlt.s32 v20, $0x10;
	v20 =	vld.idx.msk [tilespmem:v24+s4+$0x0], $0xffff;
	v23 =	vperm.xlane v0, v60;
	v15 =	vsel vm3, v25, v27;
	[tilespmem:s30+$0x40] =	vst v62  }
0x4e: {  	s31 =	simm.s32 $0x0;
	v24 =	vsel vm1, v30, v33;
	v22 =	vand.u32 $0xF, v7;
	v25 =	vsel vm2, v63, v61;
	[tilespmem:s30+$0xC0] =	vst v15;
	v15 =	vld.idx.msk [tilespmem:v59+s4+$0x0], $0xffff  }
.LBB2_3:
0x4f: {  	s31 =	sadd.s32 $0x8, s31;
	v21 =	vsel vm2, v23, v21;
	[tilespmem:s30+$0x0] =	vst v25;
	v23 =	vperm.xlane v2, v22;
	v25 =	vperm.xlane v3, v22;
	s28 =	sadd.s32 $0x1, s28  }
0x50: {  	vm2 =	vlt.s32 v7, $0x10;
	v7 =	vperm.xlane v0, v22;
	v22 =	vperm.xlane v1, v22;
	s2 =	sshll.u32 s31, $0x4;
	s0 =	sshll.u32 s31, $0x3;
	p1 =	slt.u32 s31, $0xF8;
	[tilespmem:s30+$0x10] =	vst v24  }
0x51: {  	v9 =	vperm.xlane v3, v9;
	s13 =	sand.u32 $0x7, s28;
	s2 =	sand.u32 $0x3FFFFC00, s2;
	[tilespmem:s30+$0x80] =	vst v21;
	v19 =	vld.idx.msk [tilespmem:v19+s4+$0x0], $0xffff;
	v21 =	vsel vm2, v23, v25  }
0x52: {  	s14 =	sshll.u32 s13, $0x7;
	s13 =	sshll.u32 s13, $0xB;
	v7 =	vsel vm2, v7, v22;
	s2 =	sadd.s32 s2, s29;
	[tilespmem:s30+$0x30] =	vst v18  }
0x53: {  	v8 =	vsel vm0, v8, v9;
	s14 =	sadd.s32 s14, s2;
	s2 =	sadd.s32 s13, s26;
	[tilespmem:s30+$0x1C0] =	vst v14  }
0x54: {  	v9 =	vld [tilespmem:s14+$0x50];
	[tilespmem:s30+$0xB0] =	vst v16  }
0x55: {  	v16 =	vperm.xlane v0, v5;
	v5 =	vperm.xlane v1, v5;
	v14 =	vld [tilespmem:s14+$0x70];
	[tilespmem:s30+$0x190] =	vst v20  }
0x56: {  	v18 =	vld [tilespmem:s14+$0x20];
	[tilespmem:s30+$0x1B0] =	vst v17  }
0x57: {  	v5 =	vsel vm1, v16, v5;
	v17 =	vld [tilespmem:s14+$0x40];
	[tilespmem:s30+$0x60] =	vst v21  }
0x58: {  	v20 =	vld [tilespmem:s14+$0x0];
	[tilespmem:s30+$0x90] =	vst v5  }
0x59: {  	v24 =	vld [tilespmem:s14+$0x10];
	v16 =	vand.u32 $0xF, v9;
	v5 =	vadd.s32 $0x40, v9;
	v21 =	vadd.s32 $0x60, v9;
	[tilespmem:s30+$0xE0] =	vst v7  }
0x5a: {  	v22 =	vld [tilespmem:s14+$0x30];
	v23 =	vperm.xlane v0, v16;
	v25 =	vadd.s32 $0x40, v14;
	v26 =	vadd.s32 $0x60, v14;
	[tilespmem:s30+$0x20] =	vst v8  }
0x5b: {  	v27 =	vperm.xlane v2, v16;
	v28 =	vperm.xlane v1, v16;
	v29 =	vand.u32 $0xF, v14;
	[tilespmem:s30+$0xA0] =	vst v10  }
0x5c: {  	vm2 =	vlt.s32 v9, $0x10;
	vm1 =	vlt.s32 v14, $0x10;
	v30 =	vperm.xlane v1, v29;
	v7 =	vld [tilespmem:s14+$0x60];
	[tilespmem:s30+$0x130] =	vst v19  }
0x5d: {  	v31 =	vperm.xlane v2, v29;
	v14 =	vadd.s32 $0x40, v17;
	v10 =	vadd.s32 $0x40, v20;
	[tilespmem:s30+$0x180] =	vst v12  }
0x5e: {  	v32 =	vadd.s32 $0x40, v18;
	v33 =	vperm.xlane v0, v29;
	v12 =	vadd.s32 $0x60, v18;
	v19 =	vld.idx.msk [tilespmem:v5+s4+$0x0], $0xffff;
	[tilespmem:s30+$0x160] =	vst v15  }
0x5f: {  	v9 =	vand.u32 $0xF, v18;
	v5 =	vand.u32 $0xF, v24;
	v15 =	vadd.s32 $0x40, v24;
	v26 =	vld.idx.msk [tilespmem:v26+s4+$0x0], $0xffff;
	[tilespmem:s30+$0x110] =	vst v4  }
0x60: {  	s0 =	sand.u32 $0x3FFFFE00, s0;
	v8 =	vperm.xlane v2, v9;
	v35 =	vadd.s32 $0x60, v17;
	v34 =	vperm.xlane v2, v5;
	v25 =	vld.idx.msk [tilespmem:v25+s4+$0x0], $0xffff;
	[tilespmem:s30+$0x120] =	vst v11  }
0x61: {  	s0 =	sadd.s32 s0, s2;
	vm0 =	vlt.s32 v18, $0x10;
	v36 =	vperm.xlane v3, v5;
	v11 =	vperm.xlane v0, v9;
	v21 =	vld.idx.msk [tilespmem:v21+s4+$0x0], $0xffff;
	[tilespmem:s30+$0x1A0] =	vst v6  }
0x62: {  	v18 =	vadd.s32 $0x60, v20;
	v6 =	vperm.xlane v3, v16;
	v16 =	vsel vm2, v23, v28;
	v37 =	vld.idx.msk [tilespmem:v10+s4+$0x0], $0xffff;
	[tilespmem:s30+$0x1E0] =	vst v13;
	s30 =	smov.u32 s0  }
0x63: {  	v23 =	vperm.xlane v3, v29;
	v10 =	vperm.xlane v1, v9;
	v13 =	vand.u32 $0xF, v22;
	v28 =	vld.idx.msk [tilespmem:v14+s4+$0x0], $0xffff  }
0x64: {  	vm3 =	vlt.s32 v22, $0x10;
	v6 =	vsel vm2, v27, v6;
	v4 =	vld.idx.msk [tilespmem:v15+s4+$0x0], $0xffff;
	v15 =	vperm.xlane v2, v13;
	[tilespmem:s30+$0x150] =	vst v19  }
0x65: {  	v29 =	vand.u32 $0xF, v17;
	v27 =	vperm.xlane v0, v13;
	v10 =	vsel vm0, v11, v10;
	v14 =	vld.idx.msk [tilespmem:v35+s4+$0x0], $0xffff;
	[tilespmem:s30+$0x50] =	vst v6  }
0x66: {  	v19 =	vadd.s32 $0x40, v22;
	v22 =	vadd.s32 $0x60, v22;
	v6 =	vld.idx.msk [tilespmem:v12+s4+$0x0], $0xffff;
	[tilespmem:s30+$0xD0] =	vst v16;
	v16 =	vsel vm1, v31, v23  }
0x67: {  	v35 =	vadd.s32 $0x40, v7;
	v31 =	vadd.s32 $0x60, v24;
	v12 =	vld.idx.msk [tilespmem:v18+s4+$0x0], $0xffff;
	v18 =	vperm.xlane v3, v13;
	[tilespmem:s30+$0x1F0] =	vst v26  }
0x68: {  	v23 =	vsel vm1, v33, v30;
	v13 =	vperm.xlane v1, v13;
	v26 =	vadd.s32 $0x60, v7;
	v11 =	vld.idx.msk [tilespmem:v32+s4+$0x0], $0xffff;
	[tilespmem:s30+$0x70] =	vst v16  }
0x69: {  	v30 =	vand.u32 $0xF, v20;
	v18 =	vsel vm3, v15, v18;
	v15 =	vperm.xlane v2, v29;
	[tilespmem:s30+$0x170] =	vst v25  }
0x6a: {  	v25 =	vperm.xlane v3, v30;
	v16 =	vsel vm3, v27, v13;
	v13 =	vperm.xlane v3, v29;
	[tilespmem:s30+$0x1D0] =	vst v21  }
.Ltmp0:
0x6b: {  	vm3 =	vlt.s32 v17, $0x10;
	v27 =	vperm.xlane v0, v29;
	v21 =	vperm.xlane v1, v30;
	[tilespmem:s30+$0xF0] =	vst v23;
	(pc) =	sbr.rel @p1 .LBB2_3-.Ltmp0, $4  }
0x6c: {  	v29 =	vperm.xlane v1, v29;
	v15 =	vsel vm3, v15, v13;
	[tilespmem:s30+$0x100] =	vst v37;
	v17 =	vld.idx.msk [tilespmem:v22+s4+$0x0], $0xffff;
	v22 =	vand.u32 $0xF, v7  }
0x6d: {  	v32 =	vperm.xlane v2, v30;
	v23 =	vperm.xlane v0, v30;
	[tilespmem:s30+$0x140] =	vst v28;
	v13 =	vld.idx.msk [tilespmem:v26+s4+$0x0], $0xffff  }
0x6e: {  	vm2 =	vlt.s32 v20, $0x10;
	vm1 =	vlt.s32 v24, $0x10;
	v26 =	vsel vm3, v27, v29;
	v20 =	vld.idx.msk [tilespmem:v31+s4+$0x0], $0xffff;
	[tilespmem:s30+$0x40] =	vst v15  }
0x6f: {  	v24 =	vsel vm1, v34, v36;
	v25 =	vsel vm2, v32, v25;
	[tilespmem:s30+$0xC0] =	vst v26;
	v15 =	vld.idx.msk [tilespmem:v35+s4+$0x0], $0xffff  }
0x70: {  	_ =	sdelay $0x1  }
0x71: {  	[tilespmem:s30+$0x0] =	vst v25  }
0x72: {  	[tilespmem:s30+$0x10] =	vst v24  }
0x73: {  	v19 =	vld.idx.msk [tilespmem:v19+s4+$0x0], $0xffff;
	[tilespmem:s30+$0x30] =	vst v18  }
0x74: {  	[tilespmem:s30+$0x1C0] =	vst v14  }
0x75: {  	[tilespmem:s30+$0xB0] =	vst v16  }
0x76: {  	[tilespmem:s30+$0xA0] =	vst v10  }
0x77: {  	[tilespmem:s30+$0x180] =	vst v12  }
0x78: {  	[tilespmem:s30+$0x110] =	vst v4  }
0x79: {  	[tilespmem:s30+$0x120] =	vst v11  }
0x7a: {  	v21 =	vsel vm2, v23, v21;
	[tilespmem:s30+$0x1A0] =	vst v6  }
0x7b: {  	[tilespmem:s30+$0x80] =	vst v21  }
0x7c: {  	v2 =	vperm.xlane v2, v22;
	v57 =	vperm.xlane v3, v22;
	[tilespmem:s30+$0x1B0] =	vst v17  }
0x7d: {  	vm15 =	vlt.s32 v7, $0x10;
	v58 =	vperm.xlane v0, v5;
	v59 =	vperm.xlane v1, v5;
	[tilespmem:s30+$0x1E0] =	vst v13  }
0x7e: {  	v60 =	vperm.xlane v0, v22;
	v61 =	vperm.xlane v1, v22;
	v2 =	vsel vm15, v2, v57;
	[tilespmem:s30+$0x190] =	vst v20  }
0x7f: {  	v62 =	vperm.xlane v3, v9;
	v5 =	vsel vm1, v58, v59;
	[tilespmem:s30+$0x60] =	vst v2  }
0x80: {  	v0 =	vsel vm15, v60, v61;
	[tilespmem:s30+$0x90] =	vst v5  }
0x81: {  	p1 =	seq.s32 s22, $0x18;
	p2 =	sne.s32 s24, s23;
	v63 =	vsel vm0, v8, v62;
	[tilespmem:s30+$0xE0] =	vst v0  }
0x82: {  	p1 =	por p1, p2;
	[tilespmem:s30+$0x20] =	vst v63  }
0x83: {  	s0 =	sshll.u32 @p1 s24, $0x13;
	[tilespmem:s30+$0x160] =	vst v15  }
0x84: {  	s2 =	sor.u32 @p1 $0x6, s25;
	s0 =	sor.u32 @p1 s10, s0;
	[tilespmem:s30+$0x130] =	vst v19  }
0x85: {  	s13 =	simm.s32 @p1 $0x800;
	s0 =	sshrl.u32 @p1 s0, $0x3;
	_ =	strace $0x9000004D  }
0x86: {  	s14 =	simm.s32 @p1 $0x10000;
	s0 =	sadd.s32 @p1 s3, s0;
	_ =	strace @p1 $0x8000004E  }
0x87: {  	[hbm4b:s0+s13] =	stream.strided.scatter @p1 [tilespmem:s26], [sflag:s2], $0x4000, s14, s13, $0x200038;
	[tilespmem:$0xC080] =	vst v63  }
0x88: {  	s0 =	simm.s32 $0x1  }
0x89: {  	s13 =	simm.s32 $0x1;
	s0 =	simm.s32 @!p0 $0x0;
	p0 =	seq.s32 s22, $0x0  }
0x8a: {  	_ =	strace @p1 $0x9000004E;
	s18 =	sadd.s32 s0, s18;
	s0 =	simm.s32 $0x1  }
0x8b: {  	s0 =	simm.s32 @!p1 $0x0;
	p1 =	sne.s32 s22, $0x0;
	s22 =	sadd.s32 $0x1, s22  }
0x8c: {  	s2 =	sand.u32 @!p0 $0x1, s19;
	s13 =	simm.s32 @!p1 $0x0;
	p1 =	sne.s32 s22, $0x19  }
.Ltmp1:
0x8d: {  	_ =	strace @!p0 $0x8000004F;
	s2 =	sor.u32 @!p0 $0x6, s2;
	(pc) =	sbr.rel @p1 .LBB2_2-.Ltmp1, $4  }
0x8e: {  	_ =	swait.ge @!p0 [sflag:s2], $0x4000  }
0x8f: {  	[sflag:s2] =	ssyncset.done @!p0 $0x0  }
0x90: {  	s24 =	smov.u32 s23;
	s20 =	sadd.s32 s0, s20;
	[sflag:s2] =	ssyncadd.s32 @!p0 $0xFFFFC000  }
0x91: {  	s21 =	sadd.s32 s0, s21;
	s19 =	sadd.s32 s13, s19;
	_ =	strace @!p0 $0x9000004F  }
0x92: {  	s17 =	sadd.s32 $0x1, s17  }
0x93: {  	p0 =	sne.s32 s17, s11  }
.Ltmp2:
0x94: {  	_ =	strace $0x80000050;
	(pc) =	sbr.rel @p0 .LBB2_1-.Ltmp2, $4  }
0x95: {  	_ =	swait.ge [sflag:s16], $0x4000  }
0x96: {  	[sflag:s16] =	ssyncset.done $0x0  }
0x97: {  	[sflag:s16] =	ssyncadd.s32 $0xFFFFC000  }
0x98: {  	_ =	strace $0x90000050  }
0x99: {  	_ =	sfence.sel $0x180000  }
0x9a: {  	[bflag:$0x0] =	sbarrier.arrive $0xFFFF  }
0x9b: {  	_ =	strace $0x90000047  }
0x9c: {  	s0 =	stileid.u32;
	[bflag:$0x2] =	sbarrier.arrive $0xFFFF  }
0x9d: {  	p0 =	sne.s32 s0, $0x0;
	s0 =	rddreg [dreg:$0x3]  }
0x9e: {  	s0 =	sadd.s32 @!p0 $0x100000, s0  }
0x9f: {  	[sflag:s0] =	ssyncadd.tile.s32 @!p0 $0x1;
	_ =	shalt  }
.Lfunc_end2:
_tile_overlayer_lowered:
.L_overlay_start_2:
0xa0: {  	(tag) =	ssettag $0x2  }
0xa1: {  	s0 =	rddreg [dreg:$0x0];
	s2 =	stileid.u32  }
0xa2: {  	s1 =	rddreg [dreg:$0x1];
	p0 =	sne.s32 s2, $0x0  }
0xa3: {  	s3 =	rddreg [dreg:$0x2];
	[bflag:$0x3] =	sbarrier.arrive $0xFFFF;
	s2 =	simm.s32 @!p0 $0x1C02  }
0xa4: {  	[timem:s3], [sflag:s2] =	dma.local @!p0 [hbm:s0], s1  }
0xa5: {  	s0 =	simm.s32 @!p0 $0x2  }
0xa6: {  	_ =	swait.ge @!p0 [sflag:s0], s1  }
0xa7: {  	s1 =	ssub.s32 @!p0 $0x0, s1;
	[sflag:s0] =	ssyncset.done @!p0 $0x0  }
0xa8: {  	[sflag:s0] =	ssyncadd.s32 @!p0 s1  }
0xa9: {  	[bflag:$0x3] =	sbarrier.arrive $0xFFFF  }
0xaa: {  	_ =	shalt  }

</sc_bundles>
